<compile_context>
chip_gen: v7x
topology: tpu7x:2x2x1
jax: 0.10.2.dev20260603
libtpu: 0.0.44.dev20260713+nightly
codegen_flags: <defaults>
</compile_context>

<pallas_src>
import jax
import jax.numpy as jnp
from jax import lax
from jax.experimental import pallas as pl
from jax.experimental.pallas import tpu as pltpu
from jax.experimental.pallas import tpu_sc as plsc

B = 16384
D = 64
NC = 2
NS = 16
NW = NC * NS
BPW = B // NW
HB = BPW // 2


def _emb_body(xu_hbm, xp_hbm, xn_hbm, uid_hbm, iid_hbm, out_hbm,
              iu_v, ip_v, in_v, big_v, sem):
    c = lax.axis_index("c")
    s = lax.axis_index("s")
    wid = s * NC + c
    base = wid * BPW
    pltpu.sync_copy(xu_hbm.at[pl.ds(base, BPW)], iu_v)
    pltpu.sync_copy(xp_hbm.at[pl.ds(base, BPW)], ip_v)
    pltpu.sync_copy(xn_hbm.at[pl.ds(base, BPW)], in_v)

    def half(h, carry):
        @plsc.parallel_loop(0, HB // 16, unroll=2)
        def group(g):
            r = h * HB + g * 16
            vu = iu_v[pl.ds(r, 16)]
            vp = ip_v[pl.ds(r, 16)]
            vn = in_v[pl.ds(r, 16)]
            for j in range(16):
                d = 3 * (g * 16 + j)
                pltpu.async_copy(uid_hbm.at[pl.ds(vu[j], 1)],
                                 big_v.at[pl.ds(d, 1)], sem)
                pltpu.async_copy(iid_hbm.at[pl.ds(vp[j], 1)],
                                 big_v.at[pl.ds(d + 1, 1)], sem)
                pltpu.async_copy(iid_hbm.at[pl.ds(vn[j], 1)],
                                 big_v.at[pl.ds(d + 2, 1)], sem)

        pltpu.make_async_copy(uid_hbm.at[pl.ds(0, 3 * HB)], big_v, sem).wait()
        pltpu.sync_copy(big_v, out_hbm.at[pl.ds(3 * (base + h * HB), 3 * HB)])
        return carry

    lax.fori_loop(0, 2, half, 0)


def kernel(x, uid_table, iid_table):
    x = x.astype(jnp.int32)
    xu = x[:, 0]
    xp = x[:, 1]
    xn = x[:, 2]
    mesh = plsc.VectorSubcoreMesh(core_axis_name="c", subcore_axis_name="s")
    k = pl.kernel(
        _emb_body,
        out_type=jax.ShapeDtypeStruct((3 * B, D), jnp.float32),
        mesh=mesh,
        compiler_params=pltpu.CompilerParams(use_tc_tiling_on_sc=True),
        scratch_types=[
            pltpu.VMEM((BPW,), jnp.int32),
            pltpu.VMEM((BPW,), jnp.int32),
            pltpu.VMEM((BPW,), jnp.int32),
            pltpu.VMEM((3 * HB, D), jnp.float32),
            pltpu.SemaphoreType.DMA,
        ],
    )
    out = k(xu, xp, xn, uid_table, iid_table)
    return out.reshape(B, 3, D)

# --- scband reference (transcript-rebuilt; emitter-appended) ---
"""Pipeline reference for scband-lookup-embedding-bpr-27745488732922 (READ-ONLY COPY).

The authoritative reference and input builder live on the scoring server;
editing this copy changes nothing except your own understanding.
"""

import jax, jax.numpy as jnp
import numpy as np

UID_ALL = 1000000
IID_ALL = 1000000
EMB_DIM = 64

def _xavier_uniform(key, shape):
    fan_in, fan_out = shape[1], shape[0]
    limit = float(np.sqrt(6.0 / (fan_in + fan_out)))
    return jax.random.uniform(key, shape, dtype=jnp.float32, minval=-limit, maxval=limit)

def setup_inputs(seed: int = 0) -> dict:
    key = jax.random.key(seed)
    k_x, k_u, k_i = jax.random.split(key, 3)
    x = jax.random.randint(k_x, (16384, 3), 0, 1000000, dtype=jnp.int64 if jax.config.jax_enable_x64 else jnp.int32)
    uid_table = _xavier_uniform(k_u, (UID_ALL, EMB_DIM))
    iid_table = _xavier_uniform(k_i, (IID_ALL + 1, EMB_DIM))
    return {"x": x, "uid_table": uid_table, "iid_table": iid_table}

def reference(x, uid_table, iid_table):
    uid_emb = jnp.take(uid_table, x[:, 0:1], axis=0)  # [B, 1, D]
    pos_emb = jnp.take(iid_table, x[:, 1:2], axis=0)  # [B, 1, D]
    neg_emb = jnp.take(iid_table, x[:, 2:3], axis=0)  # [B, 1, D]
    emb = jnp.concatenate([uid_emb, pos_emb, neg_emb], axis=1)  # [B, 3, D]
    return emb

if __name__ == "__main__":
    import jax
    _d = setup_inputs()
    print(jax.jit(kernel)(*tuple(_d.values())))

</pallas_src>

<mosaic_0001>
#map = affine_map<(d0, d1) -> (0)>
#map1 = affine_map<(d0, d1) -> (0, 0)>
module attributes {stable_mosaic.version = 14 : i64} {
  func.func @_emb_body(%arg0: i32, %arg1: i32, %arg2: memref<16384xi32, #tpu.memory_space<hbm>>, %arg3: memref<16384xi32, #tpu.memory_space<hbm>>, %arg4: memref<16384xi32, #tpu.memory_space<hbm>>, %arg5: memref<1000000x64xf32, #tpu.memory_space<hbm>>, %arg6: memref<1000001x64xf32, #tpu.memory_space<hbm>>, %arg7: memref<49152x64xf32, #tpu.memory_space<hbm>>, %arg8: memref<512xi32, #tpu.memory_space<vmem>>, %arg9: memref<512xi32, #tpu.memory_space<vmem>>, %arg10: memref<512xi32, #tpu.memory_space<vmem>>, %arg11: memref<768x64xf32, #tpu.memory_space<vmem>>, %arg12: memref<!tpu.dma_semaphore, #tpu.memory_space<semaphore_mem>>) attributes {dimension_semantics = [#tpu.dimension_semantics<core_parallel>, #tpu.dimension_semantics<subcore_parallel>], iteration_bounds = array<i64: 2, 16>, scalar_prefetch = 0 : i64, scratch_operands = 5 : i64, tpu.core_type = #tpu.core_type<sc_vector_subcore>, window_params = [{transform_indices = #map}, {transform_indices = #map}, {transform_indices = #map}, {transform_indices = #map1}, {transform_indices = #map1}, {transform_indices = #map1}]} {
    %mul3A = arith.constant 2 : i32
    %mul3A_0 = arith.muli %arg1, %mul3A : i32
    %add3A = arith.addi %mul3A_0, %arg0 : i32
    %mul3A_1 = arith.constant 512 : i32
    %mul3A_2 = arith.muli %add3A, %mul3A_1 : i32
    "tpu.region"() ({
      %run_scoped3A = tpu.sem_alloc : memref<!tpu.dma_semaphore, #tpu.memory_space<semaphore_mem>>
      %dma_start3A = tpu.memref_slice %arg2[%mul3A_2] : memref<16384xi32, #tpu.memory_space<hbm>> -> memref<512xi32, #tpu.memory_space<hbm>>
      %dma_start3A_8 = tpu.memref_slice %arg2[%mul3A_2] : memref<16384xi32, #tpu.memory_space<hbm>> -> memref<512xi32, #tpu.memory_space<hbm>>
      tpu.enqueue_dma source(%dma_start3A_8 : memref<512xi32, #tpu.memory_space<hbm>>) target(%arg8 : memref<512xi32, #tpu.memory_space<vmem>>) target_semaphore(%run_scoped3A : memref<!tpu.dma_semaphore, #tpu.memory_space<semaphore_mem>>)
      %dma_wait3A = tpu.memref_slice %arg2[%mul3A_2] : memref<16384xi32, #tpu.memory_space<hbm>> -> memref<512xi32, #tpu.memory_space<hbm>>
      %dma_wait3A_9 = tpu.memref_slice %arg2[%mul3A_2] : memref<16384xi32, #tpu.memory_space<hbm>> -> memref<512xi32, #tpu.memory_space<hbm>>
      tpu.wait_dma2 semaphore(%run_scoped3A : memref<!tpu.dma_semaphore, #tpu.memory_space<semaphore_mem>>) src(%dma_wait3A_9 : memref<512xi32, #tpu.memory_space<hbm>>) dst(%arg8 : memref<512xi32, #tpu.memory_space<vmem>>)
      tpu.yield
    }) : () -> ()
    "tpu.region"() ({
      %run_scoped3A = tpu.sem_alloc : memref<!tpu.dma_semaphore, #tpu.memory_space<semaphore_mem>>
      %dma_start3A = tpu.memref_slice %arg3[%mul3A_2] : memref<16384xi32, #tpu.memory_space<hbm>> -> memref<512xi32, #tpu.memory_space<hbm>>
      %dma_start3A_8 = tpu.memref_slice %arg3[%mul3A_2] : memref<16384xi32, #tpu.memory_space<hbm>> -> memref<512xi32, #tpu.memory_space<hbm>>
      tpu.enqueue_dma source(%dma_start3A_8 : memref<512xi32, #tpu.memory_space<hbm>>) target(%arg9 : memref<512xi32, #tpu.memory_space<vmem>>) target_semaphore(%run_scoped3A : memref<!tpu.dma_semaphore, #tpu.memory_space<semaphore_mem>>)
      %dma_wait3A = tpu.memref_slice %arg3[%mul3A_2] : memref<16384xi32, #tpu.memory_space<hbm>> -> memref<512xi32, #tpu.memory_space<hbm>>
      %dma_wait3A_9 = tpu.memref_slice %arg3[%mul3A_2] : memref<16384xi32, #tpu.memory_space<hbm>> -> memref<512xi32, #tpu.memory_space<hbm>>
      tpu.wait_dma2 semaphore(%run_scoped3A : memref<!tpu.dma_semaphore, #tpu.memory_space<semaphore_mem>>) src(%dma_wait3A_9 : memref<512xi32, #tpu.memory_space<hbm>>) dst(%arg9 : memref<512xi32, #tpu.memory_space<vmem>>)
      tpu.yield
    }) : () -> ()
    "tpu.region"() ({
      %run_scoped3A = tpu.sem_alloc : memref<!tpu.dma_semaphore, #tpu.memory_space<semaphore_mem>>
      %dma_start3A = tpu.memref_slice %arg4[%mul3A_2] : memref<16384xi32, #tpu.memory_space<hbm>> -> memref<512xi32, #tpu.memory_space<hbm>>
      %dma_start3A_8 = tpu.memref_slice %arg4[%mul3A_2] : memref<16384xi32, #tpu.memory_space<hbm>> -> memref<512xi32, #tpu.memory_space<hbm>>
      tpu.enqueue_dma source(%dma_start3A_8 : memref<512xi32, #tpu.memory_space<hbm>>) target(%arg10 : memref<512xi32, #tpu.memory_space<vmem>>) target_semaphore(%run_scoped3A : memref<!tpu.dma_semaphore, #tpu.memory_space<semaphore_mem>>)
      %dma_wait3A = tpu.memref_slice %arg4[%mul3A_2] : memref<16384xi32, #tpu.memory_space<hbm>> -> memref<512xi32, #tpu.memory_space<hbm>>
      %dma_wait3A_9 = tpu.memref_slice %arg4[%mul3A_2] : memref<16384xi32, #tpu.memory_space<hbm>> -> memref<512xi32, #tpu.memory_space<hbm>>
      tpu.wait_dma2 semaphore(%run_scoped3A : memref<!tpu.dma_semaphore, #tpu.memory_space<semaphore_mem>>) src(%dma_wait3A_9 : memref<512xi32, #tpu.memory_space<hbm>>) dst(%arg10 : memref<512xi32, #tpu.memory_space<vmem>>)
      tpu.yield
    }) : () -> ()
    %scan3A = arith.constant 0 : i32
    %scan3A_3 = arith.constant 0 : i32
    %scan3A_4 = arith.constant 2 : i32
    %scan3A_5 = arith.addi %scan3A_3, %scan3A_4 : i32
    %scan3A_6 = arith.constant 1 : i32
    scf.for %scan3A_8 = %scan3A_3 to %scan3A_5 step %scan3A_6  : i32 {
      %parallel_loop3A = arith.constant 0 : i32
      %parallel_loop3A_9 = arith.constant 16 : i32
      %parallel_loop3A_10 = arith.constant 1 : i32
      scf.for %parallel_loop3A_21 = %parallel_loop3A to %parallel_loop3A_9 step %parallel_loop3A_10  : i32 {
        %parallel_loop3A_22 = arith.constant 256 : i32
        %parallel_loop3A_23 = arith.muli %scan3A_8, %parallel_loop3A_22 : i32
        %parallel_loop3A_24 = arith.constant 16 : i32
        %parallel_loop3A_25 = arith.muli %parallel_loop3A_21, %parallel_loop3A_24 : i32
        %parallel_loop3A_26 = arith.addi %parallel_loop3A_23, %parallel_loop3A_25 : i32
        %parallel_loop3A_27 = arith.index_cast %parallel_loop3A_26 : i32 to index
        %parallel_loop3A_28 = tpu.vector_load %arg8[%parallel_loop3A_27] {strides = array<i32>} : memref<512xi32, #tpu.memory_space<vmem>>, vector<16xi32>,
        %parallel_loop3A_29 = vector.shape_cast %parallel_loop3A_28 : vector<16xi32> to vector<16xi32>
        %parallel_loop3A_30 = arith.index_cast %parallel_loop3A_26 : i32 to index
        %parallel_loop3A_31 = tpu.vector_load %arg9[%parallel_loop3A_30] {strides = array<i32>} : memref<512xi32, #tpu.memory_space<vmem>>, vector<16xi32>,
        %parallel_loop3A_32 = vector.shape_cast %parallel_loop3A_31 : vector<16xi32> to vector<16xi32>
        %parallel_loop3A_33 = arith.index_cast %parallel_loop3A_26 : i32 to index
        %parallel_loop3A_34 = tpu.vector_load %arg10[%parallel_loop3A_33] {strides = array<i32>} : memref<512xi32, #tpu.memory_space<vmem>>, vector<16xi32>,
        %parallel_loop3A_35 = vector.shape_cast %parallel_loop3A_34 : vector<16xi32> to vector<16xi32>
        %parallel_loop3A_36 = arith.constant 16 : i32
        %parallel_loop3A_37 = arith.muli %parallel_loop3A_21, %parallel_loop3A_36 : i32
        %parallel_loop3A_38 = arith.constant 0 : i32
        %parallel_loop3A_39 = arith.addi %parallel_loop3A_37, %parallel_loop3A_38 : i32
        %parallel_loop3A_40 = arith.constant 3 : i32
        %parallel_loop3A_41 = arith.muli %parallel_loop3A_40, %parallel_loop3A_39 : i32
        %parallel_loop3A_42 = vector.extract_strided_slice %parallel_loop3A_29 {offsets = [0], sizes = [1], strides = [1]} : vector<16xi32> to vector<1xi32>
        %parallel_loop3A_43 = vector.extract %parallel_loop3A_42[0] : i32 from vector<1xi32>
        %parallel_loop3A_44 = arith.constant 0 : i32
        %parallel_loop3A_45 = tpu.memref_slice %arg11[%parallel_loop3A_41, %parallel_loop3A_44] : memref<768x64xf32, #tpu.memory_space<vmem>> -> memref<1x64xf32, #tpu.memory_space<vmem>>
        %parallel_loop3A_46 = arith.constant 0 : i32
        %parallel_loop3A_47 = tpu.memref_slice %arg5[%parallel_loop3A_43, %parallel_loop3A_46] : memref<1000000x64xf32, #tpu.memory_space<hbm>> -> memref<1x64xf32, #tpu.memory_space<hbm>>
        %parallel_loop3A_48 = arith.constant 0 : i32
        %parallel_loop3A_49 = tpu.memref_slice %arg11[%parallel_loop3A_41, %parallel_loop3A_48] : memref<768x64xf32, #tpu.memory_space<vmem>> -> memref<1x64xf32, #tpu.memory_space<vmem>>
        %parallel_loop3A_50 = arith.constant 0 : i32
        %parallel_loop3A_51 = tpu.memref_slice %arg5[%parallel_loop3A_43, %parallel_loop3A_50] : memref<1000000x64xf32, #tpu.memory_space<hbm>> -> memref<1x64xf32, #tpu.memory_space<hbm>>
        tpu.enqueue_dma source(%parallel_loop3A_51 : memref<1x64xf32, #tpu.memory_space<hbm>>) target(%parallel_loop3A_49 : memref<1x64xf32, #tpu.memory_space<vmem>>) target_semaphore(%arg12 : memref<!tpu.dma_semaphore, #tpu.memory_space<semaphore_mem>>)
        %parallel_loop3A_52 = vector.extract_strided_slice %parallel_loop3A_32 {offsets = [0], sizes = [1], strides = [1]} : vector<16xi32> to vector<1xi32>
        %parallel_loop3A_53 = vector.extract %parallel_loop3A_52[0] : i32 from vector<1xi32>
        %parallel_loop3A_54 = arith.constant 1 : i32
        %parallel_loop3A_55 = arith.addi %parallel_loop3A_41, %parallel_loop3A_54 : i32
        %parallel_loop3A_56 = arith.constant 0 : i32
        %parallel_loop3A_57 = tpu.memref_slice %arg11[%parallel_loop3A_55, %parallel_loop3A_56] : memref<768x64xf32, #tpu.memory_space<vmem>> -> memref<1x64xf32, #tpu.memory_space<vmem>>
        %parallel_loop3A_58 = arith.constant 0 : i32
        %parallel_loop3A_59 = tpu.memref_slice %arg6[%parallel_loop3A_53, %parallel_loop3A_58] : memref<1000001x64xf32, #tpu.memory_space<hbm>> -> memref<1x64xf32, #tpu.memory_space<hbm>>
        %parallel_loop3A_60 = arith.constant 0 : i32
        %parallel_loop3A_61 = tpu.memref_slice %arg11[%parallel_loop3A_55, %parallel_loop3A_60] : memref<768x64xf32, #tpu.memory_space<vmem>> -> memref<1x64xf32, #tpu.memory_space<vmem>>
        %parallel_loop3A_62 = arith.constant 0 : i32
        %parallel_loop3A_63 = tpu.memref_slice %arg6[%parallel_loop3A_53, %parallel_loop3A_62] : memref<1000001x64xf32, #tpu.memory_space<hbm>> -> memref<1x64xf32, #tpu.memory_space<hbm>>
        tpu.enqueue_dma source(%parallel_loop3A_63 : memref<1x64xf32, #tpu.memory_space<hbm>>) target(%parallel_loop3A_61 : memref<1x64xf32, #tpu.memory_space<vmem>>) target_semaphore(%arg12 : memref<!tpu.dma_semaphore, #tpu.memory_space<semaphore_mem>>)
        %parallel_loop3A_64 = vector.extract_strided_slice %parallel_loop3A_35 {offsets = [0], sizes = [1], strides = [1]} : vector<16xi32> to vector<1xi32>
        %parallel_loop3A_65 = vector.extract %parallel_loop3A_64[0] : i32 from vector<1xi32>
        %parallel_loop3A_66 = arith.constant 2 : i32
        %parallel_loop3A_67 = arith.addi %parallel_loop3A_41, %parallel_loop3A_66 : i32
        %parallel_loop3A_68 = arith.constant 0 : i32
        %parallel_loop3A_69 = tpu.memref_slice %arg11[%parallel_loop3A_67, %parallel_loop3A_68] : memref<768x64xf32, #tpu.memory_space<vmem>> -> memref<1x64xf32, #tpu.memory_space<vmem>>
        %parallel_loop3A_70 = arith.constant 0 : i32
        %parallel_loop3A_71 = tpu.memref_slice %arg6[%parallel_loop3A_65, %parallel_loop3A_70] : memref<1000001x64xf32, #tpu.memory_space<hbm>> -> memref<1x64xf32, #tpu.memory_space<hbm>>
        %parallel_loop3A_72 = arith.constant 0 : i32
        %parallel_loop3A_73 = tpu.memref_slice %arg11[%parallel_loop3A_67, %parallel_loop3A_72] : memref<768x64xf32, #tpu.memory_space<vmem>> -> memref<1x64xf32, #tpu.memory_space<vmem>>
        %parallel_loop3A_74 = arith.constant 0 : i32
        %parallel_loop3A_75 = tpu.memref_slice %arg6[%parallel_loop3A_65, %parallel_loop3A_74] : memref<1000001x64xf32, #tpu.memory_space<hbm>> -> memref<1x64xf32, #tpu.memory_space<hbm>>
        tpu.enqueue_dma source(%parallel_loop3A_75 : memref<1x64xf32, #tpu.memory_space<hbm>>) target(%parallel_loop3A_73 : memref<1x64xf32, #tpu.memory_space<vmem>>) target_semaphore(%arg12 : memref<!tpu.dma_semaphore, #tpu.memory_space<semaphore_mem>>)
        %parallel_loop3A_76 = arith.constant 16 : i32
        %parallel_loop3A_77 = arith.muli %parallel_loop3A_21, %parallel_loop3A_76 : i32
        %parallel_loop3A_78 = arith.constant 1 : i32
        %parallel_loop3A_79 = arith.addi %parallel_loop3A_77, %parallel_loop3A_78 : i32
        %parallel_loop3A_80 = arith.constant 3 : i32
        %parallel_loop3A_81 = arith.muli %parallel_loop3A_80, %parallel_loop3A_79 : i32
        %parallel_loop3A_82 = vector.extract_strided_slice %parallel_loop3A_29 {offsets = [1], sizes = [1], strides = [1]} : vector<16xi32> to vector<1xi32>
        %parallel_loop3A_83 = vector.extract %parallel_loop3A_82[0] : i32 from vector<1xi32>
        %parallel_loop3A_84 = arith.constant 0 : i32
        %parallel_loop3A_85 = tpu.memref_slice %arg11[%parallel_loop3A_81, %parallel_loop3A_84] : memref<768x64xf32, #tpu.memory_space<vmem>> -> memref<1x64xf32, #tpu.memory_space<vmem>>
        %parallel_loop3A_86 = arith.constant 0 : i32
        %parallel_loop3A_87 = tpu.memref_slice %arg5[%parallel_loop3A_83, %parallel_loop3A_86] : memref<1000000x64xf32, #tpu.memory_space<hbm>> -> memref<1x64xf32, #tpu.memory_space<hbm>>
        %parallel_loop3A_88 = arith.constant 0 : i32
        %parallel_loop3A_89 = tpu.memref_slice %arg11[%parallel_loop3A_81, %parallel_loop3A_88] : memref<768x64xf32, #tpu.memory_space<vmem>> -> memref<1x64xf32, #tpu.memory_space<vmem>>
        %parallel_loop3A_90 = arith.constant 0 : i32
        %parallel_loop3A_91 = tpu.memref_slice %arg5[%parallel_loop3A_83, %parallel_loop3A_90] : memref<1000000x64xf32, #tpu.memory_space<hbm>> -> memref<1x64xf32, #tpu.memory_space<hbm>>
        tpu.enqueue_dma source(%parallel_loop3A_91 : memref<1x64xf32, #tpu.memory_space<hbm>>) target(%parallel_loop3A_89 : memref<1x64xf32, #tpu.memory_space<vmem>>) target_semaphore(%arg12 : memref<!tpu.dma_semaphore, #tpu.memory_space<semaphore_mem>>)
        %parallel_loop3A_92 = vector.extract_strided_slice %parallel_loop3A_32 {offsets = [1], sizes = [1], strides = [1]} : vector<16xi32> to vector<1xi32>
        %parallel_loop3A_93 = vector.extract %parallel_loop3A_92[0] : i32 from vector<1xi32>
        %parallel_loop3A_94 = arith.constant 1 : i32
        %parallel_loop3A_95 = arith.addi %parallel_loop3A_81, %parallel_loop3A_94 : i32
        %parallel_loop3A_96 = arith.constant 0 : i32
        %parallel_loop3A_97 = tpu.memref_slice %arg11[%parallel_loop3A_95, %parallel_loop3A_96] : memref<768x64xf32, #tpu.memory_space<vmem>> -> memref<1x64xf32, #tpu.memory_space<vmem>>
        %parallel_loop3A_98 = arith.constant 0 : i32
        %parallel_loop3A_99 = tpu.memref_slice %arg6[%parallel_loop3A_93, %parallel_loop3A_98] : memref<1000001x64xf32, #tpu.memory_space<hbm>> -> memref<1x64xf32, #tpu.memory_space<hbm>>
        %parallel_loop3A_100 = arith.constant 0 : i32
        %parallel_loop3A_101 = tpu.memref_slice %arg11[%parallel_loop3A_95, %parallel_loop3A_100] : memref<768x64xf32, #tpu.memory_space<vmem>> -> memref<1x64xf32, #tpu.memory_space<vmem>>
        %parallel_loop3A_102 = arith.constant 0 : i32
        %parallel_loop3A_103 = tpu.memref_slice %arg6[%parallel_loop3A_93, %parallel_loop3A_102] : memref<1000001x64xf32, #tpu.memory_space<hbm>> -> memref<1x64xf32, #tpu.memory_space<hbm>>
        tpu.enqueue_dma source(%parallel_loop3A_103 : memref<1x64xf32, #tpu.memory_space<hbm>>) target(%parallel_loop3A_101 : memref<1x64xf32, #tpu.memory_space<vmem>>) target_semaphore(%arg12 : memref<!tpu.dma_semaphore, #tpu.memory_space<semaphore_mem>>)
        %parallel_loop3A_104 = vector.extract_strided_slice %parallel_loop3A_35 {offsets = [1], sizes = [1], strides = [1]} : vector<16xi32> to vector<1xi32>
        %parallel_loop3A_105 = vector.extract %parallel_loop3A_104[0] : i32 from vector<1xi32>
        %parallel_loop3A_106 = arith.constant 2 : i32
        %parallel_loop3A_107 = arith.addi %parallel_loop3A_81, %parallel_loop3A_106 : i32
        %parallel_loop3A_108 = arith.constant 0 : i32
        %parallel_loop3A_109 = tpu.memref_slice %arg11[%parallel_loop3A_107, %parallel_loop3A_108] : memref<768x64xf32, #tpu.memory_space<vmem>> -> memref<1x64xf32, #tpu.memory_space<vmem>>
        %parallel_loop3A_110 = arith.constant 0 : i32
        %parallel_loop3A_111 = tpu.memref_slice %arg6[%parallel_loop3A_105, %parallel_loop3A_110] : memref<1000001x64xf32, #tpu.memory_space<hbm>> -> memref<1x64xf32, #tpu.memory_space<hbm>>
        %parallel_loop3A_112 = arith.constant 0 : i32
        %parallel_loop3A_113 = tpu.memref_slice %arg11[%parallel_loop3A_107, %parallel_loop3A_112] : memref<768x64xf32, #tpu.memory_space<vmem>> -> memref<1x64xf32, #tpu.memory_space<vmem>>
        %parallel_loop3A_114 = arith.constant 0 : i32
        %parallel_loop3A_115 = tpu.memref_slice %arg6[%parallel_loop3A_105, %parallel_loop3A_114] : memref<1000001x64xf32, #tpu.memory_space<hbm>> -> memref<1x64xf32, #tpu.memory_space<hbm>>
        tpu.enqueue_dma source(%parallel_loop3A_115 : memref<1x64xf32, #tpu.memory_space<hbm>>) target(%parallel_loop3A_113 : memref<1x64xf32, #tpu.memory_space<vmem>>) target_semaphore(%arg12 : memref<!tpu.dma_semaphore, #tpu.memory_space<semaphore_mem>>)
        %parallel_loop3A_116 = arith.constant 16 : i32
        %parallel_loop3A_117 = arith.muli %parallel_loop3A_21, %parallel_loop3A_116 : i32
        %parallel_loop3A_118 = arith.constant 2 : i32
        %parallel_loop3A_119 = arith.addi %parallel_loop3A_117, %parallel_loop3A_118 : i32
        %parallel_loop3A_120 = arith.constant 3 : i32
        %parallel_loop3A_121 = arith.muli %parallel_loop3A_120, %parallel_loop3A_119 : i32
        %parallel_loop3A_122 = vector.extract_strided_slice %parallel_loop3A_29 {offsets = [2], sizes = [1], strides = [1]} : vector<16xi32> to vector<1xi32>
        %parallel_loop3A_123 = vector.extract %parallel_loop3A_122[0] : i32 from vector<1xi32>
        %parallel_loop3A_124 = arith.constant 0 : i32
        %parallel_loop3A_125 = tpu.memref_slice %arg11[%parallel_loop3A_121, %parallel_loop3A_124] : memref<768x64xf32, #tpu.memory_space<vmem>> -> memref<1x64xf32, #tpu.memory_space<vmem>>
        %parallel_loop3A_126 = arith.constant 0 : i32
        %parallel_loop3A_127 = tpu.memref_slice %arg5[%parallel_loop3A_123, %parallel_loop3A_126] : memref<1000000x64xf32, #tpu.memory_space<hbm>> -> memref<1x64xf32, #tpu.memory_space<hbm>>
        %parallel_loop3A_128 = arith.constant 0 : i32
        %parallel_loop3A_129 = tpu.memref_slice %arg11[%parallel_loop3A_121, %parallel_loop3A_128] : memref<768x64xf32, #tpu.memory_space<vmem>> -> memref<1x64xf32, #tpu.memory_space<vmem>>
        %parallel_loop3A_130 = arith.constant 0 : i32
        %parallel_loop3A_131 = tpu.memref_slice %arg5[%parallel_loop3A_123, %parallel_loop3A_130] : memref<1000000x64xf32, #tpu.memory_space<hbm>> -> memref<1x64xf32, #tpu.memory_space<hbm>>
        tpu.enqueue_dma source(%parallel_loop3A_131 : memref<1x64xf32, #tpu.memory_space<hbm>>) target(%parallel_loop3A_129 : memref<1x64xf32, #tpu.memory_space<vmem>>) target_semaphore(%arg12 : memref<!tpu.dma_semaphore, #tpu.memory_space<semaphore_mem>>)
        %parallel_loop3A_132 = vector.extract_strided_slice %parallel_loop3A_32 {offsets = [2], sizes = [1], strides = [1]} : vector<16xi32> to vector<1xi32>
        %parallel_loop3A_133 = vector.extract %parallel_loop3A_132[0] : i32 from vector<1xi32>
        %parallel_loop3A_134 = arith.constant 1 : i32
        %parallel_loop3A_135 = arith.addi %parallel_loop3A_121, %parallel_loop3A_134 : i32
        %parallel_loop3A_136 = arith.constant 0 : i32
        %parallel_loop3A_137 = tpu.memref_slice %arg11[%parallel_loop3A_135, %parallel_loop3A_136] : memref<768x64xf32, #tpu.memory_space<vmem>> -> memref<1x64xf32, #tpu.memory_space<vmem>>
        %parallel_loop3A_138 = arith.constant 0 : i32
        %parallel_loop3A_139 = tpu.memref_slice %arg6[%parallel_loop3A_133, %parallel_loop3A_138] : memref<1000001x64xf32, #tpu.memory_space<hbm>> -> memref<1x64xf32, #tpu.memory_space<hbm>>
        %parallel_loop3A_140 = arith.constant 0 : i32
        %parallel_loop3A_141 = tpu.memref_slice %arg11[%parallel_loop3A_135, %parallel_loop3A_140] : memref<768x64xf32, #tpu.memory_space<vmem>> -> memref<1x64xf32, #tpu.memory_space<vmem>>
        %parallel_loop3A_142 = arith.constant 0 : i32
        %parallel_loop3A_143 = tpu.memref_slice %arg6[%parallel_loop3A_133, %parallel_loop3A_142] : memref<1000001x64xf32, #tpu.memory_space<hbm>> -> memref<1x64xf32, #tpu.memory_space<hbm>>
        tpu.enqueue_dma source(%parallel_loop3A_143 : memref<1x64xf32, #tpu.memory_space<hbm>>) target(%parallel_loop3A_141 : memref<1x64xf32, #tpu.memory_space<vmem>>) target_semaphore(%arg12 : memref<!tpu.dma_semaphore, #tpu.memory_space<semaphore_mem>>)
        %parallel_loop3A_144 = vector.extract_strided_slice %parallel_loop3A_35 {offsets = [2], sizes = [1], strides = [1]} : vector<16xi32> to vector<1xi32>
        %parallel_loop3A_145 = vector.extract %parallel_loop3A_144[0] : i32 from vector<1xi32>
        %parallel_loop3A_146 = arith.constant 2 : i32
        %parallel_loop3A_147 = arith.addi %parallel_loop3A_121, %parallel_loop3A_146 : i32
        %parallel_loop3A_148 = arith.constant 0 : i32
        %parallel_loop3A_149 = tpu.memref_slice %arg11[%parallel_loop3A_147, %parallel_loop3A_148] : memref<768x64xf32, #tpu.memory_space<vmem>> -> memref<1x64xf32, #tpu.memory_space<vmem>>
        %parallel_loop3A_150 = arith.constant 0 : i32
        %parallel_loop3A_151 = tpu.memref_slice %arg6[%parallel_loop3A_145, %parallel_loop3A_150] : memref<1000001x64xf32, #tpu.memory_space<hbm>> -> memref<1x64xf32, #tpu.memory_space<hbm>>
        %parallel_loop3A_152 = arith.constant 0 : i32
        %parallel_loop3A_153 = tpu.memref_slice %arg11[%parallel_loop3A_147, %parallel_loop3A_152] : memref<768x64xf32, #tpu.memory_space<vmem>> -> memref<1x64xf32, #tpu.memory_space<vmem>>
        %parallel_loop3A_154 = arith.constant 0 : i32
        %parallel_loop3A_155 = tpu.memref_slice %arg6[%parallel_loop3A_145, %parallel_loop3A_154] : memref<1000001x64xf32, #tpu.memory_space<hbm>> -> memref<1x64xf32, #tpu.memory_space<hbm>>
        tpu.enqueue_dma source(%parallel_loop3A_155 : memref<1x64xf32, #tpu.memory_space<hbm>>) target(%parallel_loop3A_153 : memref<1x64xf32, #tpu.memory_space<vmem>>) target_semaphore(%arg12 : memref<!tpu.dma_semaphore, #tpu.memory_space<semaphore_mem>>)
        %parallel_loop3A_156 = arith.constant 16 : i32
        %parallel_loop3A_157 = arith.muli %parallel_loop3A_21, %parallel_loop3A_156 : i32
        %parallel_loop3A_158 = arith.constant 3 : i32
        %parallel_loop3A_159 = arith.addi %parallel_loop3A_157, %parallel_loop3A_158 : i32
        %parallel_loop3A_160 = arith.constant 3 : i32
        %parallel_loop3A_161 = arith.muli %parallel_loop3A_160, %parallel_loop3A_159 : i32
        %parallel_loop3A_162 = vector.extract_strided_slice %parallel_loop3A_29 {offsets = [3], sizes = [1], strides = [1]} : vector<16xi32> to vector<1xi32>
        %parallel_loop3A_163 = vector.extract %parallel_loop3A_162[0] : i32 from vector<1xi32>
        %parallel_loop3A_164 = arith.constant 0 : i32
        %parallel_loop3A_165 = tpu.memref_slice %arg11[%parallel_loop3A_161, %parallel_loop3A_164] : memref<768x64xf32, #tpu.memory_space<vmem>> -> memref<1x64xf32, #tpu.memory_space<vmem>>
        %parallel_loop3A_166 = arith.constant 0 : i32
        %parallel_loop3A_167 = tpu.memref_slice %arg5[%parallel_loop3A_163, %parallel_loop3A_166] : memref<1000000x64xf32, #tpu.memory_space<hbm>> -> memref<1x64xf32, #tpu.memory_space<hbm>>
        %parallel_loop3A_168 = arith.constant 0 : i32
        %parallel_loop3A_169 = tpu.memref_slice %arg11[%parallel_loop3A_161, %parallel_loop3A_168] : memref<768x64xf32, #tpu.memory_space<vmem>> -> memref<1x64xf32, #tpu.memory_space<vmem>>
        %parallel_loop3A_170 = arith.constant 0 : i32
        %parallel_loop3A_171 = tpu.memref_slice %arg5[%parallel_loop3A_163, %parallel_loop3A_170] : memref<1000000x64xf32, #tpu.memory_space<hbm>> -> memref<1x64xf32, #tpu.memory_space<hbm>>
        tpu.enqueue_dma source(%parallel_loop3A_171 : memref<1x64xf32, #tpu.memory_space<hbm>>) target(%parallel_loop3A_169 : memref<1x64xf32, #tpu.memory_space<vmem>>) target_semaphore(%arg12 : memref<!tpu.dma_semaphore, #tpu.memory_space<semaphore_mem>>)
        %parallel_loop3A_172 = vector.extract_strided_slice %parallel_loop3A_32 {offsets = [3], sizes = [1], strides = [1]} : vector<16xi32> to vector<1xi32>
        %parallel_loop3A_173 = vector.extract %parallel_loop3A_172[0] : i32 from vector<1xi32>
        %parallel_loop3A_174 = arith.constant 1 : i32
        %parallel_loop3A_175 = arith.addi %parallel_loop3A_161, %parallel_loop3A_174 : i32
        %parallel_loop3A_176 = arith.constant 0 : i32
        %parallel_loop3A_177 = tpu.memref_slice %arg11[%parallel_loop3A_175, %parallel_loop3A_176] : memref<768x64xf32, #tpu.memory_space<vmem>> -> memref<1x64xf32, #tpu.memory_space<vmem>>
        %parallel_loop3A_178 = arith.constant 0 : i32
        %parallel_loop3A_179 = tpu.memref_slice %arg6[%parallel_loop3A_173, %parallel_loop3A_178] : memref<1000001x64xf32, #tpu.memory_space<hbm>> -> memref<1x64xf32, #tpu.memory_space<hbm>>
        %parallel_loop3A_180 = arith.constant 0 : i32
        %parallel_loop3A_181 = tpu.memref_slice %arg11[%parallel_loop3A_175, %parallel_loop3A_180] : memref<768x64xf32, #tpu.memory_space<vmem>> -> memref<1x64xf32, #tpu.memory_space<vmem>>
        %parallel_loop3A_182 = arith.constant 0 : i32
        %parallel_loop3A_183 = tpu.memref_slice %arg6[%parallel_loop3A_173, %parallel_loop3A_182] : memref<1000001x64xf32, #tpu.memory_space<hbm>> -> memref<1x64xf32, #tpu.memory_space<hbm>>
        tpu.enqueue_dma source(%parallel_loop3A_183 : memref<1x64xf32, #tpu.memory_space<hbm>>) target(%parallel_loop3A_181 : memref<1x64xf32, #tpu.memory_space<vmem>>) target_semaphore(%arg12 : memref<!tpu.dma_semaphore, #tpu.memory_space<semaphore_mem>>)
        %parallel_loop3A_184 = vector.extract_strided_slice %parallel_loop3A_35 {offsets = [3], sizes = [1], strides = [1]} : vector<16xi32> to vector<1xi32>
        %parallel_loop3A_185 = vector.extract %parallel_loop3A_184[0] : i32 from vector<1xi32>
        %parallel_loop3A_186 = arith.constant 2 : i32
        %parallel_loop3A_187 = arith.addi %parallel_loop3A_161, %parallel_loop3A_186 : i32
        %parallel_loop3A_188 = arith.constant 0 : i32
        %parallel_loop3A_189 = tpu.memref_slice %arg11[%parallel_loop3A_187, %parallel_loop3A_188] : memref<768x64xf32, #tpu.memory_space<vmem>> -> memref<1x64xf32, #tpu.memory_space<vmem>>
        %parallel_loop3A_190 = arith.constant 0 : i32
        %parallel_loop3A_191 = tpu.memref_slice %arg6[%parallel_loop3A_185, %parallel_loop3A_190] : memref<1000001x64xf32, #tpu.memory_space<hbm>> -> memref<1x64xf32, #tpu.memory_space<hbm>>
        %parallel_loop3A_192 = arith.constant 0 : i32
        %parallel_loop3A_193 = tpu.memref_slice %arg11[%parallel_loop3A_187, %parallel_loop3A_192] : memref<768x64xf32, #tpu.memory_space<vmem>> -> memref<1x64xf32, #tpu.memory_space<vmem>>
        %parallel_loop3A_194 = arith.constant 0 : i32
        %parallel_loop3A_195 = tpu.memref_slice %arg6[%parallel_loop3A_185, %parallel_loop3A_194] : memref<1000001x64xf32, #tpu.memory_space<hbm>> -> memref<1x64xf32, #tpu.memory_space<hbm>>
        tpu.enqueue_dma source(%parallel_loop3A_195 : memref<1x64xf32, #tpu.memory_space<hbm>>) target(%parallel_loop3A_193 : memref<1x64xf32, #tpu.memory_space<vmem>>) target_semaphore(%arg12 : memref<!tpu.dma_semaphore, #tpu.memory_space<semaphore_mem>>)
        %parallel_loop3A_196 = arith.constant 16 : i32
        %parallel_loop3A_197 = arith.muli %parallel_loop3A_21, %parallel_loop3A_196 : i32
        %parallel_loop3A_198 = arith.constant 4 : i32
        %parallel_loop3A_199 = arith.addi %parallel_loop3A_197, %parallel_loop3A_198 : i32
        %parallel_loop3A_200 = arith.constant 3 : i32
        %parallel_loop3A_201 = arith.muli %parallel_loop3A_200, %parallel_loop3A_199 : i32
        %parallel_loop3A_202 = vector.extract_strided_slice %parallel_loop3A_29 {offsets = [4], sizes = [1], strides = [1]} : vector<16xi32> to vector<1xi32>
        %parallel_loop3A_203 = vector.extract %parallel_loop3A_202[0] : i32 from vector<1xi32>
        %parallel_loop3A_204 = arith.constant 0 : i32
        %parallel_loop3A_205 = tpu.memref_slice %arg11[%parallel_loop3A_201, %parallel_loop3A_204] : memref<768x64xf32, #tpu.memory_space<vmem>> -> memref<1x64xf32, #tpu.memory_space<vmem>>
        %parallel_loop3A_206 = arith.constant 0 : i32
        %parallel_loop3A_207 = tpu.memref_slice %arg5[%parallel_loop3A_203, %parallel_loop3A_206] : memref<1000000x64xf32, #tpu.memory_space<hbm>> -> memref<1x64xf32, #tpu.memory_space<hbm>>
        %parallel_loop3A_208 = arith.constant 0 : i32
        %parallel_loop3A_209 = tpu.memref_slice %arg11[%parallel_loop3A_201, %parallel_loop3A_208] : memref<768x64xf32, #tpu.memory_space<vmem>> -> memref<1x64xf32, #tpu.memory_space<vmem>>
        %parallel_loop3A_210 = arith.constant 0 : i32
        %parallel_loop3A_211 = tpu.memref_slice %arg5[%parallel_loop3A_203, %parallel_loop3A_210] : memref<1000000x64xf32, #tpu.memory_space<hbm>> -> memref<1x64xf32, #tpu.memory_space<hbm>>
        tpu.enqueue_dma source(%parallel_loop3A_211 : memref<1x64xf32, #tpu.memory_space<hbm>>) target(%parallel_loop3A_209 : memref<1x64xf32, #tpu.memory_space<vmem>>) target_semaphore(%arg12 : memref<!tpu.dma_semaphore, #tpu.memory_space<semaphore_mem>>)
        %parallel_loop3A_212 = vector.extract_strided_slice %parallel_loop3A_32 {offsets = [4], sizes = [1], strides = [1]} : vector<16xi32> to vector<1xi32>
        %parallel_loop3A_213 = vector.extract %parallel_loop3A_212[0] : i32 from vector<1xi32>
        %parallel_loop3A_214 = arith.constant 1 : i32
        %parallel_loop3A_215 = arith.addi %parallel_loop3A_201, %parallel_loop3A_214 : i32
        %parallel_loop3A_216 = arith.constant 0 : i32
        %parallel_loop3A_217 = tpu.memref_slice %arg11[%parallel_loop3A_215, %parallel_loop3A_216] : memref<768x64xf32, #tpu.memory_space<vmem>> -> memref<1x64xf32, #tpu.memory_space<vmem>>
        %parallel_loop3A_218 = arith.constant 0 : i32
        %parallel_loop3A_219 = tpu.memref_slice %arg6[%parallel_loop3A_213, %parallel_loop3A_218] : memref<1000001x64xf32, #tpu.memory_space<hbm>> -> memref<1x64xf32, #tpu.memory_space<hbm>>
        %parallel_loop3A_220 = arith.constant 0 : i32
        %parallel_loop3A_221 = tpu.memref_slice %arg11[%parallel_loop3A_215, %parallel_loop3A_220] : memref<768x64xf32, #tpu.memory_space<vmem>> -> memref<1x64xf32, #tpu.memory_space<vmem>>
        %parallel_loop3A_222 = arith.constant 0 : i32
        %parallel_loop3A_223 = tpu.memref_slice %arg6[%parallel_loop3A_213, %parallel_loop3A_222] : memref<1000001x64xf32, #tpu.memory_space<hbm>> -> memref<1x64xf32, #tpu.memory_space<hbm>>
        tpu.enqueue_dma source(%parallel_loop3A_223 : memref<1x64xf32, #tpu.memory_space<hbm>>) target(%parallel_loop3A_221 : memref<1x64xf32, #tpu.memory_space<vmem>>) target_semaphore(%arg12 : memref<!tpu.dma_semaphore, #tpu.memory_space<semaphore_mem>>)
        %parallel_loop3A_224 = vector.extract_strided_slice %parallel_loop3A_35 {offsets = [4], sizes = [1], strides = [1]} : vector<16xi32> to vector<1xi32>
        %parallel_loop3A_225 = vector.extract %parallel_loop3A_224[0] : i32 from vector<1xi32>
        %parallel_loop3A_226 = arith.constant 2 : i32
        %parallel_loop3A_227 = arith.addi %parallel_loop3A_201, %parallel_loop3A_226 : i32
        %parallel_loop3A_228 = arith.constant 0 : i32
        %parallel_loop3A_229 = tpu.memref_slice %arg11[%parallel_loop3A_227, %parallel_loop3A_228] : memref<768x64xf32, #tpu.memory_space<vmem>> -> memref<1x64xf32, #tpu.memory_space<vmem>>
        %parallel_loop3A_230 = arith.constant 0 : i32
        %parallel_loop3A_231 = tpu.memref_slice %arg6[%parallel_loop3A_225, %parallel_loop3A_230] : memref<1000001x64xf32, #tpu.memory_space<hbm>> -> memref<1x64xf32, #tpu.memory_space<hbm>>
        %parallel_loop3A_232 = arith.constant 0 : i32
        %parallel_loop3A_233 = tpu.memref_slice %arg11[%parallel_loop3A_227, %parallel_loop3A_232] : memref<768x64xf32, #tpu.memory_space<vmem>> -> memref<1x64xf32, #tpu.memory_space<vmem>>
        %parallel_loop3A_234 = arith.constant 0 : i32
        %parallel_loop3A_235 = tpu.memref_slice %arg6[%parallel_loop3A_225, %parallel_loop3A_234] : memref<1000001x64xf32, #tpu.memory_space<hbm>> -> memref<1x64xf32, #tpu.memory_space<hbm>>
        tpu.enqueue_dma source(%parallel_loop3A_235 : memref<1x64xf32, #tpu.memory_space<hbm>>) target(%parallel_loop3A_233 : memref<1x64xf32, #tpu.memory_space<vmem>>) target_semaphore(%arg12 : memref<!tpu.dma_semaphore, #tpu.memory_space<semaphore_mem>>)
        %parallel_loop3A_236 = arith.constant 16 : i32
        %parallel_loop3A_237 = arith.muli %parallel_loop3A_21, %parallel_loop3A_236 : i32
        %parallel_loop3A_238 = arith.constant 5 : i32
        %parallel_loop3A_239 = arith.addi %parallel_loop3A_237, %parallel_loop3A_238 : i32
        %parallel_loop3A_240 = arith.constant 3 : i32
        %parallel_loop3A_241 = arith.muli %parallel_loop3A_240, %parallel_loop3A_239 : i32
        %parallel_loop3A_242 = vector.extract_strided_slice %parallel_loop3A_29 {offsets = [5], sizes = [1], strides = [1]} : vector<16xi32> to vector<1xi32>
        %parallel_loop3A_243 = vector.extract %parallel_loop3A_242[0] : i32 from vector<1xi32>
        %parallel_loop3A_244 = arith.constant 0 : i32
        %parallel_loop3A_245 = tpu.memref_slice %arg11[%parallel_loop3A_241, %parallel_loop3A_244] : memref<768x64xf32, #tpu.memory_space<vmem>> -> memref<1x64xf32, #tpu.memory_space<vmem>>
        %parallel_loop3A_246 = arith.constant 0 : i32
        %parallel_loop3A_247 = tpu.memref_slice %arg5[%parallel_loop3A_243, %parallel_loop3A_246] : memref<1000000x64xf32, #tpu.memory_space<hbm>> -> memref<1x64xf32, #tpu.memory_space<hbm>>
        %parallel_loop3A_248 = arith.constant 0 : i32
        %parallel_loop3A_249 = tpu.memref_slice %arg11[%parallel_loop3A_241, %parallel_loop3A_248] : memref<768x64xf32, #tpu.memory_space<vmem>> -> memref<1x64xf32, #tpu.memory_space<vmem>>
        %parallel_loop3A_250 = arith.constant 0 : i32
        %parallel_loop3A_251 = tpu.memref_slice %arg5[%parallel_loop3A_243, %parallel_loop3A_250] : memref<1000000x64xf32, #tpu.memory_space<hbm>> -> memref<1x64xf32, #tpu.memory_space<hbm>>
        tpu.enqueue_dma source(%parallel_loop3A_251 : memref<1x64xf32, #tpu.memory_space<hbm>>) target(%parallel_loop3A_249 : memref<1x64xf32, #tpu.memory_space<vmem>>) target_semaphore(%arg12 : memref<!tpu.dma_semaphore, #tpu.memory_space<semaphore_mem>>)
        %parallel_loop3A_252 = vector.extract_strided_slice %parallel_loop3A_32 {offsets = [5], sizes = [1], strides = [1]} : vector<16xi32> to vector<1xi32>
        %parallel_loop3A_253 = vector.extract %parallel_loop3A_252[0] : i32 from vector<1xi32>
        %parallel_loop3A_254 = arith.constant 1 : i32
        %parallel_loop3A_255 = arith.addi %parallel_loop3A_241, %parallel_loop3A_254 : i32
        %parallel_loop3A_256 = arith.constant 0 : i32
        %parallel_loop3A_257 = tpu.memref_slice %arg11[%parallel_loop3A_255, %parallel_loop3A_256] : memref<768x64xf32, #tpu.memory_space<vmem>> -> memref<1x64xf32, #tpu.memory_space<vmem>>
        %parallel_loop3A_258 = arith.constant 0 : i32
        %parallel_loop3A_259 = tpu.memref_slice %arg6[%parallel_loop3A_253, %parallel_loop3A_258] : memref<1000001x64xf32, #tpu.memory_space<hbm>> -> memref<1x64xf32, #tpu.memory_space<hbm>>
        %parallel_loop3A_260 = arith.constant 0 : i32
        %parallel_loop3A_261 = tpu.memref_slice %arg11[%parallel_loop3A_255, %parallel_loop3A_260] : memref<768x64xf32, #tpu.memory_space<vmem>> -> memref<1x64xf32, #tpu.memory_space<vmem>>
        %parallel_loop3A_262 = arith.constant 0 : i32
        %parallel_loop3A_263 = tpu.memref_slice %arg6[%parallel_loop3A_253, %parallel_loop3A_262] : memref<1000001x64xf32, #tpu.memory_space<hbm>> -> memref<1x64xf32, #tpu.memory_space<hbm>>
        tpu.enqueue_dma source(%parallel_loop3A_263 : memref<1x64xf32, #tpu.memory_space<hbm>>) target(%parallel_loop3A_261 : memref<1x64xf32, #tpu.memory_space<vmem>>) target_semaphore(%arg12 : memref<!tpu.dma_semaphore, #tpu.memory_space<semaphore_mem>>)
        %parallel_loop3A_264 = vector.extract_strided_slice %parallel_loop3A_35 {offsets = [5], sizes = [1], strides = [1]} : vector<16xi32> to vector<1xi32>
        %parallel_loop3A_265 = vector.extract %parallel_loop3A_264[0] : i32 from vector<1xi32>
        %parallel_loop3A_266 = arith.constant 2 : i32
        %parallel_loop3A_267 = arith.addi %parallel_loop3A_241, %parallel_loop3A_266 : i32
        %parallel_loop3A_268 = arith.constant 0 : i32
        %parallel_loop3A_269 = tpu.memref_slice %arg11[%parallel_loop3A_267, %parallel_loop3A_268] : memref<768x64xf32, #tpu.memory_space<vmem>> -> memref<1x64xf32, #tpu.memory_space<vmem>>
        %parallel_loop3A_270 = arith.constant 0 : i32
        %parallel_loop3A_271 = tpu.memref_slice %arg6[%parallel_loop3A_265, %parallel_loop3A_270] : memref<1000001x64xf32, #tpu.memory_space<hbm>> -> memref<1x64xf32, #tpu.memory_space<hbm>>
        %parallel_loop3A_272 = arith.constant 0 : i32
        %parallel_loop3A_273 = tpu.memref_slice %arg11[%parallel_loop3A_267, %parallel_loop3A_272] : memref<768x64xf32, #tpu.memory_space<vmem>> -> memref<1x64xf32, #tpu.memory_space<vmem>>
        %parallel_loop3A_274 = arith.constant 0 : i32
        %parallel_loop3A_275 = tpu.memref_slice %arg6[%parallel_loop3A_265, %parallel_loop3A_274] : memref<1000001x64xf32, #tpu.memory_space<hbm>> -> memref<1x64xf32, #tpu.memory_space<hbm>>
        tpu.enqueue_dma source(%parallel_loop3A_275 : memref<1x64xf32, #tpu.memory_space<hbm>>) target(%parallel_loop3A_273 : memref<1x64xf32, #tpu.memory_space<vmem>>) target_semaphore(%arg12 : memref<!tpu.dma_semaphore, #tpu.memory_space<semaphore_mem>>)
        %parallel_loop3A_276 = arith.constant 16 : i32
        %parallel_loop3A_277 = arith.muli %parallel_loop3A_21, %parallel_loop3A_276 : i32
        %parallel_loop3A_278 = arith.constant 6 : i32
        %parallel_loop3A_279 = arith.addi %parallel_loop3A_277, %parallel_loop3A_278 : i32
        %parallel_loop3A_280 = arith.constant 3 : i32
        %parallel_loop3A_281 = arith.muli %parallel_loop3A_280, %parallel_loop3A_279 : i32
        %parallel_loop3A_282 = vector.extract_strided_slice %parallel_loop3A_29 {offsets = [6], sizes = [1], strides = [1]} : vector<16xi32> to vector<1xi32>
        %parallel_loop3A_283 = vector.extract %parallel_loop3A_282[0] : i32 from vector<1xi32>
        %parallel_loop3A_284 = arith.constant 0 : i32
        %parallel_loop3A_285 = tpu.memref_slice %arg11[%parallel_loop3A_281, %parallel_loop3A_284] : memref<768x64xf32, #tpu.memory_space<vmem>> -> memref<1x64xf32, #tpu.memory_space<vmem>>
        %parallel_loop3A_286 = arith.constant 0 : i32
        %parallel_loop3A_287 = tpu.memref_slice %arg5[%parallel_loop3A_283, %parallel_loop3A_286] : memref<1000000x64xf32, #tpu.memory_space<hbm>> -> memref<1x64xf32, #tpu.memory_space<hbm>>
        %parallel_loop3A_288 = arith.constant 0 : i32
        %parallel_loop3A_289 = tpu.memref_slice %arg11[%parallel_loop3A_281, %parallel_loop3A_288] : memref<768x64xf32, #tpu.memory_space<vmem>> -> memref<1x64xf32, #tpu.memory_space<vmem>>
        %parallel_loop3A_290 = arith.constant 0 : i32
        %parallel_loop3A_291 = tpu.memref_slice %arg5[%parallel_loop3A_283, %parallel_loop3A_290] : memref<1000000x64xf32, #tpu.memory_space<hbm>> -> memref<1x64xf32, #tpu.memory_space<hbm>>
        tpu.enqueue_dma source(%parallel_loop3A_291 : memref<1x64xf32, #tpu.memory_space<hbm>>) target(%parallel_loop3A_289 : memref<1x64xf32, #tpu.memory_space<vmem>>) target_semaphore(%arg12 : memref<!tpu.dma_semaphore, #tpu.memory_space<semaphore_mem>>)
        %parallel_loop3A_292 = vector.extract_strided_slice %parallel_loop3A_32 {offsets = [6], sizes = [1], strides = [1]} : vector<16xi32> to vector<1xi32>
        %parallel_loop3A_293 = vector.extract %parallel_loop3A_292[0] : i32 from vector<1xi32>
        %parallel_loop3A_294 = arith.constant 1 : i32
        %parallel_loop3A_295 = arith.addi %parallel_loop3A_281, %parallel_loop3A_294 : i32
        %parallel_loop3A_296 = arith.constant 0 : i32
        %parallel_loop3A_297 = tpu.memref_slice %arg11[%parallel_loop3A_295, %parallel_loop3A_296] : memref<768x64xf32, #tpu.memory_space<vmem>> -> memref<1x64xf32, #tpu.memory_space<vmem>>
        %parallel_loop3A_298 = arith.constant 0 : i32
        %parallel_loop3A_299 = tpu.memref_slice %arg6[%parallel_loop3A_293, %parallel_loop3A_298] : memref<1000001x64xf32, #tpu.memory_space<hbm>> -> memref<1x64xf32, #tpu.memory_space<hbm>>
        %parallel_loop3A_300 = arith.constant 0 : i32
        %parallel_loop3A_301 = tpu.memref_slice %arg11[%parallel_loop3A_295, %parallel_loop3A_300] : memref<768x64xf32, #tpu.memory_space<vmem>> -> memref<1x64xf32, #tpu.memory_space<vmem>>
        %parallel_loop3A_302 = arith.constant 0 : i32
        %parallel_loop3A_303 = tpu.memref_slice %arg6[%parallel_loop3A_293, %parallel_loop3A_302] : memref<1000001x64xf32, #tpu.memory_space<hbm>> -> memref<1x64xf32, #tpu.memory_space<hbm>>
        tpu.enqueue_dma source(%parallel_loop3A_303 : memref<1x64xf32, #tpu.memory_space<hbm>>) target(%parallel_loop3A_301 : memref<1x64xf32, #tpu.memory_space<vmem>>) target_semaphore(%arg12 : memref<!tpu.dma_semaphore, #tpu.memory_space<semaphore_mem>>)
        %parallel_loop3A_304 = vector.extract_strided_slice %parallel_loop3A_35 {offsets = [6], sizes = [1], strides = [1]} : vector<16xi32> to vector<1xi32>
        %parallel_loop3A_305 = vector.extract %parallel_loop3A_304[0] : i32 from vector<1xi32>
        %parallel_loop3A_306 = arith.constant 2 : i32
        %parallel_loop3A_307 = arith.addi %parallel_loop3A_281, %parallel_loop3A_306 : i32
        %parallel_loop3A_308 = arith.constant 0 : i32
        %parallel_loop3A_309 = tpu.memref_slice %arg11[%parallel_loop3A_307, %parallel_loop3A_308] : memref<768x64xf32, #tpu.memory_space<vmem>> -> memref<1x64xf32, #tpu.memory_space<vmem>>
        %parallel_loop3A_310 = arith.constant 0 : i32
        %parallel_loop3A_311 = tpu.memref_slice %arg6[%parallel_loop3A_305, %parallel_loop3A_310] : memref<1000001x64xf32, #tpu.memory_space<hbm>> -> memref<1x64xf32, #tpu.memory_space<hbm>>
        %parallel_loop3A_312 = arith.constant 0 : i32
        %parallel_loop3A_313 = tpu.memref_slice %arg11[%parallel_loop3A_307, %parallel_loop3A_312] : memref<768x64xf32, #tpu.memory_space<vmem>> -> memref<1x64xf32, #tpu.memory_space<vmem>>
        %parallel_loop3A_314 = arith.constant 0 : i32
        %parallel_loop3A_315 = tpu.memref_slice %arg6[%parallel_loop3A_305, %parallel_loop3A_314] : memref<1000001x64xf32, #tpu.memory_space<hbm>> -> memref<1x64xf32, #tpu.memory_space<hbm>>
        tpu.enqueue_dma source(%parallel_loop3A_315 : memref<1x64xf32, #tpu.memory_space<hbm>>) target(%parallel_loop3A_313 : memref<1x64xf32, #tpu.memory_space<vmem>>) target_semaphore(%arg12 : memref<!tpu.dma_semaphore, #tpu.memory_space<semaphore_mem>>)
        %parallel_loop3A_316 = arith.constant 16 : i32
        %parallel_loop3A_317 = arith.muli %parallel_loop3A_21, %parallel_loop3A_316 : i32
        %parallel_loop3A_318 = arith.constant 7 : i32
        %parallel_loop3A_319 = arith.addi %parallel_loop3A_317, %parallel_loop3A_318 : i32
        %parallel_loop3A_320 = arith.constant 3 : i32
        %parallel_loop3A_321 = arith.muli %parallel_loop3A_320, %parallel_loop3A_319 : i32
        %parallel_loop3A_322 = vector.extract_strided_slice %parallel_loop3A_29 {offsets = [7], sizes = [1], strides = [1]} : vector<16xi32> to vector<1xi32>
        %parallel_loop3A_323 = vector.extract %parallel_loop3A_322[0] : i32 from vector<1xi32>
        %parallel_loop3A_324 = arith.constant 0 : i32
        %parallel_loop3A_325 = tpu.memref_slice %arg11[%parallel_loop3A_321, %parallel_loop3A_324] : memref<768x64xf32, #tpu.memory_space<vmem>> -> memref<1x64xf32, #tpu.memory_space<vmem>>
        %parallel_loop3A_326 = arith.constant 0 : i32
        %parallel_loop3A_327 = tpu.memref_slice %arg5[%parallel_loop3A_323, %parallel_loop3A_326] : memref<1000000x64xf32, #tpu.memory_space<hbm>> -> memref<1x64xf32, #tpu.memory_space<hbm>>
        %parallel_loop3A_328 = arith.constant 0 : i32
        %parallel_loop3A_329 = tpu.memref_slice %arg11[%parallel_loop3A_321, %parallel_loop3A_328] : memref<768x64xf32, #tpu.memory_space<vmem>> -> memref<1x64xf32, #tpu.memory_space<vmem>>
        %parallel_loop3A_330 = arith.constant 0 : i32
        %parallel_loop3A_331 = tpu.memref_slice %arg5[%parallel_loop3A_323, %parallel_loop3A_330] : memref<1000000x64xf32, #tpu.memory_space<hbm>> -> memref<1x64xf32, #tpu.memory_space<hbm>>
        tpu.enqueue_dma source(%parallel_loop3A_331 : memref<1x64xf32, #tpu.memory_space<hbm>>) target(%parallel_loop3A_329 : memref<1x64xf32, #tpu.memory_space<vmem>>) target_semaphore(%arg12 : memref<!tpu.dma_semaphore, #tpu.memory_space<semaphore_mem>>)
        %parallel_loop3A_332 = vector.extract_strided_slice %parallel_loop3A_32 {offsets = [7], sizes = [1], strides = [1]} : vector<16xi32> to vector<1xi32>
        %parallel_loop3A_333 = vector.extract %parallel_loop3A_332[0] : i32 from vector<1xi32>
        %parallel_loop3A_334 = arith.constant 1 : i32
        %parallel_loop3A_335 = arith.addi %parallel_loop3A_321, %parallel_loop3A_334 : i32
        %parallel_loop3A_336 = arith.constant 0 : i32
        %parallel_loop3A_337 = tpu.memref_slice %arg11[%parallel_loop3A_335, %parallel_loop3A_336] : memref<768x64xf32, #tpu.memory_space<vmem>> -> memref<1x64xf32, #tpu.memory_space<vmem>>
        %parallel_loop3A_338 = arith.constant 0 : i32
        %parallel_loop3A_339 = tpu.memref_slice %arg6[%parallel_loop3A_333, %parallel_loop3A_338] : memref<1000001x64xf32, #tpu.memory_space<hbm>> -> memref<1x64xf32, #tpu.memory_space<hbm>>
        %parallel_loop3A_340 = arith.constant 0 : i32
        %parallel_loop3A_341 = tpu.memref_slice %arg11[%parallel_loop3A_335, %parallel_loop3A_340] : memref<768x64xf32, #tpu.memory_space<vmem>> -> memref<1x64xf32, #tpu.memory_space<vmem>>
        %parallel_loop3A_342 = arith.constant 0 : i32
        %parallel_loop3A_343 = tpu.memref_slice %arg6[%parallel_loop3A_333, %parallel_loop3A_342] : memref<1000001x64xf32, #tpu.memory_space<hbm>> -> memref<1x64xf32, #tpu.memory_space<hbm>>
        tpu.enqueue_dma source(%parallel_loop3A_343 : memref<1x64xf32, #tpu.memory_space<hbm>>) target(%parallel_loop3A_341 : memref<1x64xf32, #tpu.memory_space<vmem>>) target_semaphore(%arg12 : memref<!tpu.dma_semaphore, #tpu.memory_space<semaphore_mem>>)
        %parallel_loop3A_344 = vector.extract_strided_slice %parallel_loop3A_35 {offsets = [7], sizes = [1], strides = [1]} : vector<16xi32> to vector<1xi32>
        %parallel_loop3A_345 = vector.extract %parallel_loop3A_344[0] : i32 from vector<1xi32>
        %parallel_loop3A_346 = arith.constant 2 : i32
        %parallel_loop3A_347 = arith.addi %parallel_loop3A_321, %parallel_loop3A_346 : i32
        %parallel_loop3A_348 = arith.constant 0 : i32
        %parallel_loop3A_349 = tpu.memref_slice %arg11[%parallel_loop3A_347, %parallel_loop3A_348] : memref<768x64xf32, #tpu.memory_space<vmem>> -> memref<1x64xf32, #tpu.memory_space<vmem>>
        %parallel_loop3A_350 = arith.constant 0 : i32
        %parallel_loop3A_351 = tpu.memref_slice %arg6[%parallel_loop3A_345, %parallel_loop3A_350] : memref<1000001x64xf32, #tpu.memory_space<hbm>> -> memref<1x64xf32, #tpu.memory_space<hbm>>
        %parallel_loop3A_352 = arith.constant 0 : i32
        %parallel_loop3A_353 = tpu.memref_slice %arg11[%parallel_loop3A_347, %parallel_loop3A_352] : memref<768x64xf32, #tpu.memory_space<vmem>> -> memref<1x64xf32, #tpu.memory_space<vmem>>
        %parallel_loop3A_354 = arith.constant 0 : i32
        %parallel_loop3A_355 = tpu.memref_slice %arg6[%parallel_loop3A_345, %parallel_loop3A_354] : memref<1000001x64xf32, #tpu.memory_space<hbm>> -> memref<1x64xf32, #tpu.memory_space<hbm>>
        tpu.enqueue_dma source(%parallel_loop3A_355 : memref<1x64xf32, #tpu.memory_space<hbm>>) target(%parallel_loop3A_353 : memref<1x64xf32, #tpu.memory_space<vmem>>) target_semaphore(%arg12 : memref<!tpu.dma_semaphore, #tpu.memory_space<semaphore_mem>>)
        %parallel_loop3A_356 = arith.constant 16 : i32
        %parallel_loop3A_357 = arith.muli %parallel_loop3A_21, %parallel_loop3A_356 : i32
        %parallel_loop3A_358 = arith.constant 8 : i32
        %parallel_loop3A_359 = arith.addi %parallel_loop3A_357, %parallel_loop3A_358 : i32
        %parallel_loop3A_360 = arith.constant 3 : i32
        %parallel_loop3A_361 = arith.muli %parallel_loop3A_360, %parallel_loop3A_359 : i32
        %parallel_loop3A_362 = vector.extract_strided_slice %parallel_loop3A_29 {offsets = [8], sizes = [1], strides = [1]} : vector<16xi32> to vector<1xi32>
        %parallel_loop3A_363 = vector.extract %parallel_loop3A_362[0] : i32 from vector<1xi32>
        %parallel_loop3A_364 = arith.constant 0 : i32
        %parallel_loop3A_365 = tpu.memref_slice %arg11[%parallel_loop3A_361, %parallel_loop3A_364] : memref<768x64xf32, #tpu.memory_space<vmem>> -> memref<1x64xf32, #tpu.memory_space<vmem>>
        %parallel_loop3A_366 = arith.constant 0 : i32
        %parallel_loop3A_367 = tpu.memref_slice %arg5[%parallel_loop3A_363, %parallel_loop3A_366] : memref<1000000x64xf32, #tpu.memory_space<hbm>> -> memref<1x64xf32, #tpu.memory_space<hbm>>
        %parallel_loop3A_368 = arith.constant 0 : i32
        %parallel_loop3A_369 = tpu.memref_slice %arg11[%parallel_loop3A_361, %parallel_loop3A_368] : memref<768x64xf32, #tpu.memory_space<vmem>> -> memref<1x64xf32, #tpu.memory_space<vmem>>
        %parallel_loop3A_370 = arith.constant 0 : i32
        %parallel_loop3A_371 = tpu.memref_slice %arg5[%parallel_loop3A_363, %parallel_loop3A_370] : memref<1000000x64xf32, #tpu.memory_space<hbm>> -> memref<1x64xf32, #tpu.memory_space<hbm>>
        tpu.enqueue_dma source(%parallel_loop3A_371 : memref<1x64xf32, #tpu.memory_space<hbm>>) target(%parallel_loop3A_369 : memref<1x64xf32, #tpu.memory_space<vmem>>) target_semaphore(%arg12 : memref<!tpu.dma_semaphore, #tpu.memory_space<semaphore_mem>>)
        %parallel_loop3A_372 = vector.extract_strided_slice %parallel_loop3A_32 {offsets = [8], sizes = [1], strides = [1]} : vector<16xi32> to vector<1xi32>
        %parallel_loop3A_373 = vector.extract %parallel_loop3A_372[0] : i32 from vector<1xi32>
        %parallel_loop3A_374 = arith.constant 1 : i32
        %parallel_loop3A_375 = arith.addi %parallel_loop3A_361, %parallel_loop3A_374 : i32
        %parallel_loop3A_376 = arith.constant 0 : i32
        %parallel_loop3A_377 = tpu.memref_slice %arg11[%parallel_loop3A_375, %parallel_loop3A_376] : memref<768x64xf32, #tpu.memory_space<vmem>> -> memref<1x64xf32, #tpu.memory_space<vmem>>
        %parallel_loop3A_378 = arith.constant 0 : i32
        %parallel_loop3A_379 = tpu.memref_slice %arg6[%parallel_loop3A_373, %parallel_loop3A_378] : memref<1000001x64xf32, #tpu.memory_space<hbm>> -> memref<1x64xf32, #tpu.memory_space<hbm>>
        %parallel_loop3A_380 = arith.constant 0 : i32
        %parallel_loop3A_381 = tpu.memref_slice %arg11[%parallel_loop3A_375, %parallel_loop3A_380] : memref<768x64xf32, #tpu.memory_space<vmem>> -> memref<1x64xf32, #tpu.memory_space<vmem>>
        %parallel_loop3A_382 = arith.constant 0 : i32
        %parallel_loop3A_383 = tpu.memref_slice %arg6[%parallel_loop3A_373, %parallel_loop3A_382] : memref<1000001x64xf32, #tpu.memory_space<hbm>> -> memref<1x64xf32, #tpu.memory_space<hbm>>
        tpu.enqueue_dma source(%parallel_loop3A_383 : memref<1x64xf32, #tpu.memory_space<hbm>>) target(%parallel_loop3A_381 : memref<1x64xf32, #tpu.memory_space<vmem>>) target_semaphore(%arg12 : memref<!tpu.dma_semaphore, #tpu.memory_space<semaphore_mem>>)
        %parallel_loop3A_384 = vector.extract_strided_slice %parallel_loop3A_35 {offsets = [8], sizes = [1], strides = [1]} : vector<16xi32> to vector<1xi32>
        %parallel_loop3A_385 = vector.extract %parallel_loop3A_384[0] : i32 from vector<1xi32>
        %parallel_loop3A_386 = arith.constant 2 : i32
        %parallel_loop3A_387 = arith.addi %parallel_loop3A_361, %parallel_loop3A_386 : i32
        %parallel_loop3A_388 = arith.constant 0 : i32
        %parallel_loop3A_389 = tpu.memref_slice %arg11[%parallel_loop3A_387, %parallel_loop3A_388] : memref<768x64xf32, #tpu.memory_space<vmem>> -> memref<1x64xf32, #tpu.memory_space<vmem>>
        %parallel_loop3A_390 = arith.constant 0 : i32
        %parallel_loop3A_391 = tpu.memref_slice %arg6[%parallel_loop3A_385, %parallel_loop3A_390] : memref<1000001x64xf32, #tpu.memory_space<hbm>> -> memref<1x64xf32, #tpu.memory_space<hbm>>
        %parallel_loop3A_392 = arith.constant 0 : i32
        %parallel_loop3A_393 = tpu.memref_slice %arg11[%parallel_loop3A_387, %parallel_loop3A_392] : memref<768x64xf32, #tpu.memory_space<vmem>> -> memref<1x64xf32, #tpu.memory_space<vmem>>
        %parallel_loop3A_394 = arith.constant 0 : i32
        %parallel_loop3A_395 = tpu.memref_slice %arg6[%parallel_loop3A_385, %parallel_loop3A_394] : memref<1000001x64xf32, #tpu.memory_space<hbm>> -> memref<1x64xf32, #tpu.memory_space<hbm>>
        tpu.enqueue_dma source(%parallel_loop3A_395 : memref<1x64xf32, #tpu.memory_space<hbm>>) target(%parallel_loop3A_393 : memref<1x64xf32, #tpu.memory_space<vmem>>) target_semaphore(%arg12 : memref<!tpu.dma_semaphore, #tpu.memory_space<semaphore_mem>>)
        %parallel_loop3A_396 = arith.constant 16 : i32
        %parallel_loop3A_397 = arith.muli %parallel_loop3A_21, %parallel_loop3A_396 : i32
        %parallel_loop3A_398 = arith.constant 9 : i32
        %parallel_loop3A_399 = arith.addi %parallel_loop3A_397, %parallel_loop3A_398 : i32
        %parallel_loop3A_400 = arith.constant 3 : i32
        %parallel_loop3A_401 = arith.muli %parallel_loop3A_400, %parallel_loop3A_399 : i32
        %parallel_loop3A_402 = vector.extract_strided_slice %parallel_loop3A_29 {offsets = [9], sizes = [1], strides = [1]} : vector<16xi32> to vector<1xi32>
        %parallel_loop3A_403 = vector.extract %parallel_loop3A_402[0] : i32 from vector<1xi32>
        %parallel_loop3A_404 = arith.constant 0 : i32
        %parallel_loop3A_405 = tpu.memref_slice %arg11[%parallel_loop3A_401, %parallel_loop3A_404] : memref<768x64xf32, #tpu.memory_space<vmem>> -> memref<1x64xf32, #tpu.memory_space<vmem>>
        %parallel_loop3A_406 = arith.constant 0 : i32
        %parallel_loop3A_407 = tpu.memref_slice %arg5[%parallel_loop3A_403, %parallel_loop3A_406] : memref<1000000x64xf32, #tpu.memory_space<hbm>> -> memref<1x64xf32, #tpu.memory_space<hbm>>
        %parallel_loop3A_408 = arith.constant 0 : i32
        %parallel_loop3A_409 = tpu.memref_slice %arg11[%parallel_loop3A_401, %parallel_loop3A_408] : memref<768x64xf32, #tpu.memory_space<vmem>> -> memref<1x64xf32, #tpu.memory_space<vmem>>
        %parallel_loop3A_410 = arith.constant 0 : i32
        %parallel_loop3A_411 = tpu.memref_slice %arg5[%parallel_loop3A_403, %parallel_loop3A_410] : memref<1000000x64xf32, #tpu.memory_space<hbm>> -> memref<1x64xf32, #tpu.memory_space<hbm>>
        tpu.enqueue_dma source(%parallel_loop3A_411 : memref<1x64xf32, #tpu.memory_space<hbm>>) target(%parallel_loop3A_409 : memref<1x64xf32, #tpu.memory_space<vmem>>) target_semaphore(%arg12 : memref<!tpu.dma_semaphore, #tpu.memory_space<semaphore_mem>>)
        %parallel_loop3A_412 = vector.extract_strided_slice %parallel_loop3A_32 {offsets = [9], sizes = [1], strides = [1]} : vector<16xi32> to vector<1xi32>
        %parallel_loop3A_413 = vector.extract %parallel_loop3A_412[0] : i32 from vector<1xi32>
        %parallel_loop3A_414 = arith.constant 1 : i32
        %parallel_loop3A_415 = arith.addi %parallel_loop3A_401, %parallel_loop3A_414 : i32
        %parallel_loop3A_416 = arith.constant 0 : i32
        %parallel_loop3A_417 = tpu.memref_slice %arg11[%parallel_loop3A_415, %parallel_loop3A_416] : memref<768x64xf32, #tpu.memory_space<vmem>> -> memref<1x64xf32, #tpu.memory_space<vmem>>
        %parallel_loop3A_418 = arith.constant 0 : i32
        %parallel_loop3A_419 = tpu.memref_slice %arg6[%parallel_loop3A_413, %parallel_loop3A_418] : memref<1000001x64xf32, #tpu.memory_space<hbm>> -> memref<1x64xf32, #tpu.memory_space<hbm>>
        %parallel_loop3A_420 = arith.constant 0 : i32
        %parallel_loop3A_421 = tpu.memref_slice %arg11[%parallel_loop3A_415, %parallel_loop3A_420] : memref<768x64xf32, #tpu.memory_space<vmem>> -> memref<1x64xf32, #tpu.memory_space<vmem>>
        %parallel_loop3A_422 = arith.constant 0 : i32
        %parallel_loop3A_423 = tpu.memref_slice %arg6[%parallel_loop3A_413, %parallel_loop3A_422] : memref<1000001x64xf32, #tpu.memory_space<hbm>> -> memref<1x64xf32, #tpu.memory_space<hbm>>
        tpu.enqueue_dma source(%parallel_loop3A_423 : memref<1x64xf32, #tpu.memory_space<hbm>>) target(%parallel_loop3A_421 : memref<1x64xf32, #tpu.memory_space<vmem>>) target_semaphore(%arg12 : memref<!tpu.dma_semaphore, #tpu.memory_space<semaphore_mem>>)
        %parallel_loop3A_424 = vector.extract_strided_slice %parallel_loop3A_35 {offsets = [9], sizes = [1], strides = [1]} : vector<16xi32> to vector<1xi32>
        %parallel_loop3A_425 = vector.extract %parallel_loop3A_424[0] : i32 from vector<1xi32>
        %parallel_loop3A_426 = arith.constant 2 : i32
        %parallel_loop3A_427 = arith.addi %parallel_loop3A_401, %parallel_loop3A_426 : i32
        %parallel_loop3A_428 = arith.constant 0 : i32
        %parallel_loop3A_429 = tpu.memref_slice %arg11[%parallel_loop3A_427, %parallel_loop3A_428] : memref<768x64xf32, #tpu.memory_space<vmem>> -> memref<1x64xf32, #tpu.memory_space<vmem>>
        %parallel_loop3A_430 = arith.constant 0 : i32
        %parallel_loop3A_431 = tpu.memref_slice %arg6[%parallel_loop3A_425, %parallel_loop3A_430] : memref<1000001x64xf32, #tpu.memory_space<hbm>> -> memref<1x64xf32, #tpu.memory_space<hbm>>
        %parallel_loop3A_432 = arith.constant 0 : i32
        %parallel_loop3A_433 = tpu.memref_slice %arg11[%parallel_loop3A_427, %parallel_loop3A_432] : memref<768x64xf32, #tpu.memory_space<vmem>> -> memref<1x64xf32, #tpu.memory_space<vmem>>
        %parallel_loop3A_434 = arith.constant 0 : i32
        %parallel_loop3A_435 = tpu.memref_slice %arg6[%parallel_loop3A_425, %parallel_loop3A_434] : memref<1000001x64xf32, #tpu.memory_space<hbm>> -> memref<1x64xf32, #tpu.memory_space<hbm>>
        tpu.enqueue_dma source(%parallel_loop3A_435 : memref<1x64xf32, #tpu.memory_space<hbm>>) target(%parallel_loop3A_433 : memref<1x64xf32, #tpu.memory_space<vmem>>) target_semaphore(%arg12 : memref<!tpu.dma_semaphore, #tpu.memory_space<semaphore_mem>>)
        %parallel_loop3A_436 = arith.constant 16 : i32
        %parallel_loop3A_437 = arith.muli %parallel_loop3A_21, %parallel_loop3A_436 : i32
        %parallel_loop3A_438 = arith.constant 10 : i32
        %parallel_loop3A_439 = arith.addi %parallel_loop3A_437, %parallel_loop3A_438 : i32
        %parallel_loop3A_440 = arith.constant 3 : i32
        %parallel_loop3A_441 = arith.muli %parallel_loop3A_440, %parallel_loop3A_439 : i32
        %parallel_loop3A_442 = vector.extract_strided_slice %parallel_loop3A_29 {offsets = [10], sizes = [1], strides = [1]} : vector<16xi32> to vector<1xi32>
        %parallel_loop3A_443 = vector.extract %parallel_loop3A_442[0] : i32 from vector<1xi32>
        %parallel_loop3A_444 = arith.constant 0 : i32
        %parallel_loop3A_445 = tpu.memref_slice %arg11[%parallel_loop3A_441, %parallel_loop3A_444] : memref<768x64xf32, #tpu.memory_space<vmem>> -> memref<1x64xf32, #tpu.memory_space<vmem>>
        %parallel_loop3A_446 = arith.constant 0 : i32
        %parallel_loop3A_447 = tpu.memref_slice %arg5[%parallel_loop3A_443, %parallel_loop3A_446] : memref<1000000x64xf32, #tpu.memory_space<hbm>> -> memref<1x64xf32, #tpu.memory_space<hbm>>
        %parallel_loop3A_448 = arith.constant 0 : i32
        %parallel_loop3A_449 = tpu.memref_slice %arg11[%parallel_loop3A_441, %parallel_loop3A_448] : memref<768x64xf32, #tpu.memory_space<vmem>> -> memref<1x64xf32, #tpu.memory_space<vmem>>
        %parallel_loop3A_450 = arith.constant 0 : i32
        %parallel_loop3A_451 = tpu.memref_slice %arg5[%parallel_loop3A_443, %parallel_loop3A_450] : memref<1000000x64xf32, #tpu.memory_space<hbm>> -> memref<1x64xf32, #tpu.memory_space<hbm>>
        tpu.enqueue_dma source(%parallel_loop3A_451 : memref<1x64xf32, #tpu.memory_space<hbm>>) target(%parallel_loop3A_449 : memref<1x64xf32, #tpu.memory_space<vmem>>) target_semaphore(%arg12 : memref<!tpu.dma_semaphore, #tpu.memory_space<semaphore_mem>>)
        %parallel_loop3A_452 = vector.extract_strided_slice %parallel_loop3A_32 {offsets = [10], sizes = [1], strides = [1]} : vector<16xi32> to vector<1xi32>
        %parallel_loop3A_453 = vector.extract %parallel_loop3A_452[0] : i32 from vector<1xi32>
        %parallel_loop3A_454 = arith.constant 1 : i32
        %parallel_loop3A_455 = arith.addi %parallel_loop3A_441, %parallel_loop3A_454 : i32
        %parallel_loop3A_456 = arith.constant 0 : i32
        %parallel_loop3A_457 = tpu.memref_slice %arg11[%parallel_loop3A_455, %parallel_loop3A_456] : memref<768x64xf32, #tpu.memory_space<vmem>> -> memref<1x64xf32, #tpu.memory_space<vmem>>
        %parallel_loop3A_458 = arith.constant 0 : i32
        %parallel_loop3A_459 = tpu.memref_slice %arg6[%parallel_loop3A_453, %parallel_loop3A_458] : memref<1000001x64xf32, #tpu.memory_space<hbm>> -> memref<1x64xf32, #tpu.memory_space<hbm>>
        %parallel_loop3A_460 = arith.constant 0 : i32
        %parallel_loop3A_461 = tpu.memref_slice %arg11[%parallel_loop3A_455, %parallel_loop3A_460] : memref<768x64xf32, #tpu.memory_space<vmem>> -> memref<1x64xf32, #tpu.memory_space<vmem>>
        %parallel_loop3A_462 = arith.constant 0 : i32
        %parallel_loop3A_463 = tpu.memref_slice %arg6[%parallel_loop3A_453, %parallel_loop3A_462] : memref<1000001x64xf32, #tpu.memory_space<hbm>> -> memref<1x64xf32, #tpu.memory_space<hbm>>
        tpu.enqueue_dma source(%parallel_loop3A_463 : memref<1x64xf32, #tpu.memory_space<hbm>>) target(%parallel_loop3A_461 : memref<1x64xf32, #tpu.memory_space<vmem>>) target_semaphore(%arg12 : memref<!tpu.dma_semaphore, #tpu.memory_space<semaphore_mem>>)
        %parallel_loop3A_464 = vector.extract_strided_slice %parallel_loop3A_35 {offsets = [10], sizes = [1], strides = [1]} : vector<16xi32> to vector<1xi32>
        %parallel_loop3A_465 = vector.extract %parallel_loop3A_464[0] : i32 from vector<1xi32>
        %parallel_loop3A_466 = arith.constant 2 : i32
        %parallel_loop3A_467 = arith.addi %parallel_loop3A_441, %parallel_loop3A_466 : i32
        %parallel_loop3A_468 = arith.constant 0 : i32
        %parallel_loop3A_469 = tpu.memref_slice %arg11[%parallel_loop3A_467, %parallel_loop3A_468] : memref<768x64xf32, #tpu.memory_space<vmem>> -> memref<1x64xf32, #tpu.memory_space<vmem>>
        %parallel_loop3A_470 = arith.constant 0 : i32
        %parallel_loop3A_471 = tpu.memref_slice %arg6[%parallel_loop3A_465, %parallel_loop3A_470] : memref<1000001x64xf32, #tpu.memory_space<hbm>> -> memref<1x64xf32, #tpu.memory_space<hbm>>
        %parallel_loop3A_472 = arith.constant 0 : i32
        %parallel_loop3A_473 = tpu.memref_slice %arg11[%parallel_loop3A_467, %parallel_loop3A_472] : memref<768x64xf32, #tpu.memory_space<vmem>> -> memref<1x64xf32, #tpu.memory_space<vmem>>
        %parallel_loop3A_474 = arith.constant 0 : i32
        %parallel_loop3A_475 = tpu.memref_slice %arg6[%parallel_loop3A_465, %parallel_loop3A_474] : memref<1000001x64xf32, #tpu.memory_space<hbm>> -> memref<1x64xf32, #tpu.memory_space<hbm>>
        tpu.enqueue_dma source(%parallel_loop3A_475 : memref<1x64xf32, #tpu.memory_space<hbm>>) target(%parallel_loop3A_473 : memref<1x64xf32, #tpu.memory_space<vmem>>) target_semaphore(%arg12 : memref<!tpu.dma_semaphore, #tpu.memory_space<semaphore_mem>>)
        %parallel_loop3A_476 = arith.constant 16 : i32
        %parallel_loop3A_477 = arith.muli %parallel_loop3A_21, %parallel_loop3A_476 : i32
        %parallel_loop3A_478 = arith.constant 11 : i32
        %parallel_loop3A_479 = arith.addi %parallel_loop3A_477, %parallel_loop3A_478 : i32
        %parallel_loop3A_480 = arith.constant 3 : i32
        %parallel_loop3A_481 = arith.muli %parallel_loop3A_480, %parallel_loop3A_479 : i32
        %parallel_loop3A_482 = vector.extract_strided_slice %parallel_loop3A_29 {offsets = [11], sizes = [1], strides = [1]} : vector<16xi32> to vector<1xi32>
        %parallel_loop3A_483 = vector.extract %parallel_loop3A_482[0] : i32 from vector<1xi32>
        %parallel_loop3A_484 = arith.constant 0 : i32
        %parallel_loop3A_485 = tpu.memref_slice %arg11[%parallel_loop3A_481, %parallel_loop3A_484] : memref<768x64xf32, #tpu.memory_space<vmem>> -> memref<1x64xf32, #tpu.memory_space<vmem>>
        %parallel_loop3A_486 = arith.constant 0 : i32
        %parallel_loop3A_487 = tpu.memref_slice %arg5[%parallel_loop3A_483, %parallel_loop3A_486] : memref<1000000x64xf32, #tpu.memory_space<hbm>> -> memref<1x64xf32, #tpu.memory_space<hbm>>
        %parallel_loop3A_488 = arith.constant 0 : i32
        %parallel_loop3A_489 = tpu.memref_slice %arg11[%parallel_loop3A_481, %parallel_loop3A_488] : memref<768x64xf32, #tpu.memory_space<vmem>> -> memref<1x64xf32, #tpu.memory_space<vmem>>
        %parallel_loop3A_490 = arith.constant 0 : i32
        %parallel_loop3A_491 = tpu.memref_slice %arg5[%parallel_loop3A_483, %parallel_loop3A_490] : memref<1000000x64xf32, #tpu.memory_space<hbm>> -> memref<1x64xf32, #tpu.memory_space<hbm>>
        tpu.enqueue_dma source(%parallel_loop3A_491 : memref<1x64xf32, #tpu.memory_space<hbm>>) target(%parallel_loop3A_489 : memref<1x64xf32, #tpu.memory_space<vmem>>) target_semaphore(%arg12 : memref<!tpu.dma_semaphore, #tpu.memory_space<semaphore_mem>>)
        %parallel_loop3A_492 = vector.extract_strided_slice %parallel_loop3A_32 {offsets = [11], sizes = [1], strides = [1]} : vector<16xi32> to vector<1xi32>
        %parallel_loop3A_493 = vector.extract %parallel_loop3A_492[0] : i32 from vector<1xi32>
        %parallel_loop3A_494 = arith.constant 1 : i32
        %parallel_loop3A_495 = arith.addi %parallel_loop3A_481, %parallel_loop3A_494 : i32
        %parallel_loop3A_496 = arith.constant 0 : i32
        %parallel_loop3A_497 = tpu.memref_slice %arg11[%parallel_loop3A_495, %parallel_loop3A_496] : memref<768x64xf32, #tpu.memory_space<vmem>> -> memref<1x64xf32, #tpu.memory_space<vmem>>
        %parallel_loop3A_498 = arith.constant 0 : i32
        %parallel_loop3A_499 = tpu.memref_slice %arg6[%parallel_loop3A_493, %parallel_loop3A_498] : memref<1000001x64xf32, #tpu.memory_space<hbm>> -> memref<1x64xf32, #tpu.memory_space<hbm>>
        %parallel_loop3A_500 = arith.constant 0 : i32
        %parallel_loop3A_501 = tpu.memref_slice %arg11[%parallel_loop3A_495, %parallel_loop3A_500] : memref<768x64xf32, #tpu.memory_space<vmem>> -> memref<1x64xf32, #tpu.memory_space<vmem>>
        %parallel_loop3A_502 = arith.constant 0 : i32
        %parallel_loop3A_503 = tpu.memref_slice %arg6[%parallel_loop3A_493, %parallel_loop3A_502] : memref<1000001x64xf32, #tpu.memory_space<hbm>> -> memref<1x64xf32, #tpu.memory_space<hbm>>
        tpu.enqueue_dma source(%parallel_loop3A_503 : memref<1x64xf32, #tpu.memory_space<hbm>>) target(%parallel_loop3A_501 : memref<1x64xf32, #tpu.memory_space<vmem>>) target_semaphore(%arg12 : memref<!tpu.dma_semaphore, #tpu.memory_space<semaphore_mem>>)
        %parallel_loop3A_504 = vector.extract_strided_slice %parallel_loop3A_35 {offsets = [11], sizes = [1], strides = [1]} : vector<16xi32> to vector<1xi32>
        %parallel_loop3A_505 = vector.extract %parallel_loop3A_504[0] : i32 from vector<1xi32>
        %parallel_loop3A_506 = arith.constant 2 : i32
        %parallel_loop3A_507 = arith.addi %parallel_loop3A_481, %parallel_loop3A_506 : i32
        %parallel_loop3A_508 = arith.constant 0 : i32
        %parallel_loop3A_509 = tpu.memref_slice %arg11[%parallel_loop3A_507, %parallel_loop3A_508] : memref<768x64xf32, #tpu.memory_space<vmem>> -> memref<1x64xf32, #tpu.memory_space<vmem>>
        %parallel_loop3A_510 = arith.constant 0 : i32
        %parallel_loop3A_511 = tpu.memref_slice %arg6[%parallel_loop3A_505, %parallel_loop3A_510] : memref<1000001x64xf32, #tpu.memory_space<hbm>> -> memref<1x64xf32, #tpu.memory_space<hbm>>
        %parallel_loop3A_512 = arith.constant 0 : i32
        %parallel_loop3A_513 = tpu.memref_slice %arg11[%parallel_loop3A_507, %parallel_loop3A_512] : memref<768x64xf32, #tpu.memory_space<vmem>> -> memref<1x64xf32, #tpu.memory_space<vmem>>
        %parallel_loop3A_514 = arith.constant 0 : i32
        %parallel_loop3A_515 = tpu.memref_slice %arg6[%parallel_loop3A_505, %parallel_loop3A_514] : memref<1000001x64xf32, #tpu.memory_space<hbm>> -> memref<1x64xf32, #tpu.memory_space<hbm>>
        tpu.enqueue_dma source(%parallel_loop3A_515 : memref<1x64xf32, #tpu.memory_space<hbm>>) target(%parallel_loop3A_513 : memref<1x64xf32, #tpu.memory_space<vmem>>) target_semaphore(%arg12 : memref<!tpu.dma_semaphore, #tpu.memory_space<semaphore_mem>>)
        %parallel_loop3A_516 = arith.constant 16 : i32
        %parallel_loop3A_517 = arith.muli %parallel_loop3A_21, %parallel_loop3A_516 : i32
        %parallel_loop3A_518 = arith.constant 12 : i32
        %parallel_loop3A_519 = arith.addi %parallel_loop3A_517, %parallel_loop3A_518 : i32
        %parallel_loop3A_520 = arith.constant 3 : i32
        %parallel_loop3A_521 = arith.muli %parallel_loop3A_520, %parallel_loop3A_519 : i32
        %parallel_loop3A_522 = vector.extract_strided_slice %parallel_loop3A_29 {offsets = [12], sizes = [1], strides = [1]} : vector<16xi32> to vector<1xi32>
        %parallel_loop3A_523 = vector.extract %parallel_loop3A_522[0] : i32 from vector<1xi32>
        %parallel_loop3A_524 = arith.constant 0 : i32
        %parallel_loop3A_525 = tpu.memref_slice %arg11[%parallel_loop3A_521, %parallel_loop3A_524] : memref<768x64xf32, #tpu.memory_space<vmem>> -> memref<1x64xf32, #tpu.memory_space<vmem>>
        %parallel_loop3A_526 = arith.constant 0 : i32
        %parallel_loop3A_527 = tpu.memref_slice %arg5[%parallel_loop3A_523, %parallel_loop3A_526] : memref<1000000x64xf32, #tpu.memory_space<hbm>> -> memref<1x64xf32, #tpu.memory_space<hbm>>
        %parallel_loop3A_528 = arith.constant 0 : i32
        %parallel_loop3A_529 = tpu.memref_slice %arg11[%parallel_loop3A_521, %parallel_loop3A_528] : memref<768x64xf32, #tpu.memory_space<vmem>> -> memref<1x64xf32, #tpu.memory_space<vmem>>
        %parallel_loop3A_530 = arith.constant 0 : i32
        %parallel_loop3A_531 = tpu.memref_slice %arg5[%parallel_loop3A_523, %parallel_loop3A_530] : memref<1000000x64xf32, #tpu.memory_space<hbm>> -> memref<1x64xf32, #tpu.memory_space<hbm>>
        tpu.enqueue_dma source(%parallel_loop3A_531 : memref<1x64xf32, #tpu.memory_space<hbm>>) target(%parallel_loop3A_529 : memref<1x64xf32, #tpu.memory_space<vmem>>) target_semaphore(%arg12 : memref<!tpu.dma_semaphore, #tpu.memory_space<semaphore_mem>>)
        %parallel_loop3A_532 = vector.extract_strided_slice %parallel_loop3A_32 {offsets = [12], sizes = [1], strides = [1]} : vector<16xi32> to vector<1xi32>
        %parallel_loop3A_533 = vector.extract %parallel_loop3A_532[0] : i32 from vector<1xi32>
        %parallel_loop3A_534 = arith.constant 1 : i32
        %parallel_loop3A_535 = arith.addi %parallel_loop3A_521, %parallel_loop3A_534 : i32
        %parallel_loop3A_536 = arith.constant 0 : i32
        %parallel_loop3A_537 = tpu.memref_slice %arg11[%parallel_loop3A_535, %parallel_loop3A_536] : memref<768x64xf32, #tpu.memory_space<vmem>> -> memref<1x64xf32, #tpu.memory_space<vmem>>
        %parallel_loop3A_538 = arith.constant 0 : i32
        %parallel_loop3A_539 = tpu.memref_slice %arg6[%parallel_loop3A_533, %parallel_loop3A_538] : memref<1000001x64xf32, #tpu.memory_space<hbm>> -> memref<1x64xf32, #tpu.memory_space<hbm>>
        %parallel_loop3A_540 = arith.constant 0 : i32
        %parallel_loop3A_541 = tpu.memref_slice %arg11[%parallel_loop3A_535, %parallel_loop3A_540] : memref<768x64xf32, #tpu.memory_space<vmem>> -> memref<1x64xf32, #tpu.memory_space<vmem>>
        %parallel_loop3A_542 = arith.constant 0 : i32
        %parallel_loop3A_543 = tpu.memref_slice %arg6[%parallel_loop3A_533, %parallel_loop3A_542] : memref<1000001x64xf32, #tpu.memory_space<hbm>> -> memref<1x64xf32, #tpu.memory_space<hbm>>
        tpu.enqueue_dma source(%parallel_loop3A_543 : memref<1x64xf32, #tpu.memory_space<hbm>>) target(%parallel_loop3A_541 : memref<1x64xf32, #tpu.memory_space<vmem>>) target_semaphore(%arg12 : memref<!tpu.dma_semaphore, #tpu.memory_space<semaphore_mem>>)
        %parallel_loop3A_544 = vector.extract_strided_slice %parallel_loop3A_35 {offsets = [12], sizes = [1], strides = [1]} : vector<16xi32> to vector<1xi32>
        %parallel_loop3A_545 = vector.extract %parallel_loop3A_544[0] : i32 from vector<1xi32>
        %parallel_loop3A_546 = arith.constant 2 : i32
        %parallel_loop3A_547 = arith.addi %parallel_loop3A_521, %parallel_loop3A_546 : i32
        %parallel_loop3A_548 = arith.constant 0 : i32
        %parallel_loop3A_549 = tpu.memref_slice %arg11[%parallel_loop3A_547, %parallel_loop3A_548] : memref<768x64xf32, #tpu.memory_space<vmem>> -> memref<1x64xf32, #tpu.memory_space<vmem>>
        %parallel_loop3A_550 = arith.constant 0 : i32
        %parallel_loop3A_551 = tpu.memref_slice %arg6[%parallel_loop3A_545, %parallel_loop3A_550] : memref<1000001x64xf32, #tpu.memory_space<hbm>> -> memref<1x64xf32, #tpu.memory_space<hbm>>
        %parallel_loop3A_552 = arith.constant 0 : i32
        %parallel_loop3A_553 = tpu.memref_slice %arg11[%parallel_loop3A_547, %parallel_loop3A_552] : memref<768x64xf32, #tpu.memory_space<vmem>> -> memref<1x64xf32, #tpu.memory_space<vmem>>
        %parallel_loop3A_554 = arith.constant 0 : i32
        %parallel_loop3A_555 = tpu.memref_slice %arg6[%parallel_loop3A_545, %parallel_loop3A_554] : memref<1000001x64xf32, #tpu.memory_space<hbm>> -> memref<1x64xf32, #tpu.memory_space<hbm>>
        tpu.enqueue_dma source(%parallel_loop3A_555 : memref<1x64xf32, #tpu.memory_space<hbm>>) target(%parallel_loop3A_553 : memref<1x64xf32, #tpu.memory_space<vmem>>) target_semaphore(%arg12 : memref<!tpu.dma_semaphore, #tpu.memory_space<semaphore_mem>>)
        %parallel_loop3A_556 = arith.constant 16 : i32
        %parallel_loop3A_557 = arith.muli %parallel_loop3A_21, %parallel_loop3A_556 : i32
        %parallel_loop3A_558 = arith.constant 13 : i32
        %parallel_loop3A_559 = arith.addi %parallel_loop3A_557, %parallel_loop3A_558 : i32
        %parallel_loop3A_560 = arith.constant 3 : i32
        %parallel_loop3A_561 = arith.muli %parallel_loop3A_560, %parallel_loop3A_559 : i32
        %parallel_loop3A_562 = vector.extract_strided_slice %parallel_loop3A_29 {offsets = [13], sizes = [1], strides = [1]} : vector<16xi32> to vector<1xi32>
        %parallel_loop3A_563 = vector.extract %parallel_loop3A_562[0] : i32 from vector<1xi32>
        %parallel_loop3A_564 = arith.constant 0 : i32
        %parallel_loop3A_565 = tpu.memref_slice %arg11[%parallel_loop3A_561, %parallel_loop3A_564] : memref<768x64xf32, #tpu.memory_space<vmem>> -> memref<1x64xf32, #tpu.memory_space<vmem>>
        %parallel_loop3A_566 = arith.constant 0 : i32
        %parallel_loop3A_567 = tpu.memref_slice %arg5[%parallel_loop3A_563, %parallel_loop3A_566] : memref<1000000x64xf32, #tpu.memory_space<hbm>> -> memref<1x64xf32, #tpu.memory_space<hbm>>
        %parallel_loop3A_568 = arith.constant 0 : i32
        %parallel_loop3A_569 = tpu.memref_slice %arg11[%parallel_loop3A_561, %parallel_loop3A_568] : memref<768x64xf32, #tpu.memory_space<vmem>> -> memref<1x64xf32, #tpu.memory_space<vmem>>
        %parallel_loop3A_570 = arith.constant 0 : i32
        %parallel_loop3A_571 = tpu.memref_slice %arg5[%parallel_loop3A_563, %parallel_loop3A_570] : memref<1000000x64xf32, #tpu.memory_space<hbm>> -> memref<1x64xf32, #tpu.memory_space<hbm>>
        tpu.enqueue_dma source(%parallel_loop3A_571 : memref<1x64xf32, #tpu.memory_space<hbm>>) target(%parallel_loop3A_569 : memref<1x64xf32, #tpu.memory_space<vmem>>) target_semaphore(%arg12 : memref<!tpu.dma_semaphore, #tpu.memory_space<semaphore_mem>>)
        %parallel_loop3A_572 = vector.extract_strided_slice %parallel_loop3A_32 {offsets = [13], sizes = [1], strides = [1]} : vector<16xi32> to vector<1xi32>
        %parallel_loop3A_573 = vector.extract %parallel_loop3A_572[0] : i32 from vector<1xi32>
        %parallel_loop3A_574 = arith.constant 1 : i32
        %parallel_loop3A_575 = arith.addi %parallel_loop3A_561, %parallel_loop3A_574 : i32
        %parallel_loop3A_576 = arith.constant 0 : i32
        %parallel_loop3A_577 = tpu.memref_slice %arg11[%parallel_loop3A_575, %parallel_loop3A_576] : memref<768x64xf32, #tpu.memory_space<vmem>> -> memref<1x64xf32, #tpu.memory_space<vmem>>
        %parallel_loop3A_578 = arith.constant 0 : i32
        %parallel_loop3A_579 = tpu.memref_slice %arg6[%parallel_loop3A_573, %parallel_loop3A_578] : memref<1000001x64xf32, #tpu.memory_space<hbm>> -> memref<1x64xf32, #tpu.memory_space<hbm>>
        %parallel_loop3A_580 = arith.constant 0 : i32
        %parallel_loop3A_581 = tpu.memref_slice %arg11[%parallel_loop3A_575, %parallel_loop3A_580] : memref<768x64xf32, #tpu.memory_space<vmem>> -> memref<1x64xf32, #tpu.memory_space<vmem>>
        %parallel_loop3A_582 = arith.constant 0 : i32
        %parallel_loop3A_583 = tpu.memref_slice %arg6[%parallel_loop3A_573, %parallel_loop3A_582] : memref<1000001x64xf32, #tpu.memory_space<hbm>> -> memref<1x64xf32, #tpu.memory_space<hbm>>
        tpu.enqueue_dma source(%parallel_loop3A_583 : memref<1x64xf32, #tpu.memory_space<hbm>>) target(%parallel_loop3A_581 : memref<1x64xf32, #tpu.memory_space<vmem>>) target_semaphore(%arg12 : memref<!tpu.dma_semaphore, #tpu.memory_space<semaphore_mem>>)
        %parallel_loop3A_584 = vector.extract_strided_slice %parallel_loop3A_35 {offsets = [13], sizes = [1], strides = [1]} : vector<16xi32> to vector<1xi32>
        %parallel_loop3A_585 = vector.extract %parallel_loop3A_584[0] : i32 from vector<1xi32>
        %parallel_loop3A_586 = arith.constant 2 : i32
        %parallel_loop3A_587 = arith.addi %parallel_loop3A_561, %parallel_loop3A_586 : i32
        %parallel_loop3A_588 = arith.constant 0 : i32
        %parallel_loop3A_589 = tpu.memref_slice %arg11[%parallel_loop3A_587, %parallel_loop3A_588] : memref<768x64xf32, #tpu.memory_space<vmem>> -> memref<1x64xf32, #tpu.memory_space<vmem>>
        %parallel_loop3A_590 = arith.constant 0 : i32
        %parallel_loop3A_591 = tpu.memref_slice %arg6[%parallel_loop3A_585, %parallel_loop3A_590] : memref<1000001x64xf32, #tpu.memory_space<hbm>> -> memref<1x64xf32, #tpu.memory_space<hbm>>
        %parallel_loop3A_592 = arith.constant 0 : i32
        %parallel_loop3A_593 = tpu.memref_slice %arg11[%parallel_loop3A_587, %parallel_loop3A_592] : memref<768x64xf32, #tpu.memory_space<vmem>> -> memref<1x64xf32, #tpu.memory_space<vmem>>
        %parallel_loop3A_594 = arith.constant 0 : i32
        %parallel_loop3A_595 = tpu.memref_slice %arg6[%parallel_loop3A_585, %parallel_loop3A_594] : memref<1000001x64xf32, #tpu.memory_space<hbm>> -> memref<1x64xf32, #tpu.memory_space<hbm>>
        tpu.enqueue_dma source(%parallel_loop3A_595 : memref<1x64xf32, #tpu.memory_space<hbm>>) target(%parallel_loop3A_593 : memref<1x64xf32, #tpu.memory_space<vmem>>) target_semaphore(%arg12 : memref<!tpu.dma_semaphore, #tpu.memory_space<semaphore_mem>>)
        %parallel_loop3A_596 = arith.constant 16 : i32
        %parallel_loop3A_597 = arith.muli %parallel_loop3A_21, %parallel_loop3A_596 : i32
        %parallel_loop3A_598 = arith.constant 14 : i32
        %parallel_loop3A_599 = arith.addi %parallel_loop3A_597, %parallel_loop3A_598 : i32
        %parallel_loop3A_600 = arith.constant 3 : i32
        %parallel_loop3A_601 = arith.muli %parallel_loop3A_600, %parallel_loop3A_599 : i32
        %parallel_loop3A_602 = vector.extract_strided_slice %parallel_loop3A_29 {offsets = [14], sizes = [1], strides = [1]} : vector<16xi32> to vector<1xi32>
        %parallel_loop3A_603 = vector.extract %parallel_loop3A_602[0] : i32 from vector<1xi32>
        %parallel_loop3A_604 = arith.constant 0 : i32
        %parallel_loop3A_605 = tpu.memref_slice %arg11[%parallel_loop3A_601, %parallel_loop3A_604] : memref<768x64xf32, #tpu.memory_space<vmem>> -> memref<1x64xf32, #tpu.memory_space<vmem>>
        %parallel_loop3A_606 = arith.constant 0 : i32
        %parallel_loop3A_607 = tpu.memref_slice %arg5[%parallel_loop3A_603, %parallel_loop3A_606] : memref<1000000x64xf32, #tpu.memory_space<hbm>> -> memref<1x64xf32, #tpu.memory_space<hbm>>
        %parallel_loop3A_608 = arith.constant 0 : i32
        %parallel_loop3A_609 = tpu.memref_slice %arg11[%parallel_loop3A_601, %parallel_loop3A_608] : memref<768x64xf32, #tpu.memory_space<vmem>> -> memref<1x64xf32, #tpu.memory_space<vmem>>
        %parallel_loop3A_610 = arith.constant 0 : i32
        %parallel_loop3A_611 = tpu.memref_slice %arg5[%parallel_loop3A_603, %parallel_loop3A_610] : memref<1000000x64xf32, #tpu.memory_space<hbm>> -> memref<1x64xf32, #tpu.memory_space<hbm>>
        tpu.enqueue_dma source(%parallel_loop3A_611 : memref<1x64xf32, #tpu.memory_space<hbm>>) target(%parallel_loop3A_609 : memref<1x64xf32, #tpu.memory_space<vmem>>) target_semaphore(%arg12 : memref<!tpu.dma_semaphore, #tpu.memory_space<semaphore_mem>>)
        %parallel_loop3A_612 = vector.extract_strided_slice %parallel_loop3A_32 {offsets = [14], sizes = [1], strides = [1]} : vector<16xi32> to vector<1xi32>
        %parallel_loop3A_613 = vector.extract %parallel_loop3A_612[0] : i32 from vector<1xi32>
        %parallel_loop3A_614 = arith.constant 1 : i32
        %parallel_loop3A_615 = arith.addi %parallel_loop3A_601, %parallel_loop3A_614 : i32
        %parallel_loop3A_616 = arith.constant 0 : i32
        %parallel_loop3A_617 = tpu.memref_slice %arg11[%parallel_loop3A_615, %parallel_loop3A_616] : memref<768x64xf32, #tpu.memory_space<vmem>> -> memref<1x64xf32, #tpu.memory_space<vmem>>
        %parallel_loop3A_618 = arith.constant 0 : i32
        %parallel_loop3A_619 = tpu.memref_slice %arg6[%parallel_loop3A_613, %parallel_loop3A_618] : memref<1000001x64xf32, #tpu.memory_space<hbm>> -> memref<1x64xf32, #tpu.memory_space<hbm>>
        %parallel_loop3A_620 = arith.constant 0 : i32
        %parallel_loop3A_621 = tpu.memref_slice %arg11[%parallel_loop3A_615, %parallel_loop3A_620] : memref<768x64xf32, #tpu.memory_space<vmem>> -> memref<1x64xf32, #tpu.memory_space<vmem>>
        %parallel_loop3A_622 = arith.constant 0 : i32
        %parallel_loop3A_623 = tpu.memref_slice %arg6[%parallel_loop3A_613, %parallel_loop3A_622] : memref<1000001x64xf32, #tpu.memory_space<hbm>> -> memref<1x64xf32, #tpu.memory_space<hbm>>
        tpu.enqueue_dma source(%parallel_loop3A_623 : memref<1x64xf32, #tpu.memory_space<hbm>>) target(%parallel_loop3A_621 : memref<1x64xf32, #tpu.memory_space<vmem>>) target_semaphore(%arg12 : memref<!tpu.dma_semaphore, #tpu.memory_space<semaphore_mem>>)
        %parallel_loop3A_624 = vector.extract_strided_slice %parallel_loop3A_35 {offsets = [14], sizes = [1], strides = [1]} : vector<16xi32> to vector<1xi32>
        %parallel_loop3A_625 = vector.extract %parallel_loop3A_624[0] : i32 from vector<1xi32>
        %parallel_loop3A_626 = arith.constant 2 : i32
        %parallel_loop3A_627 = arith.addi %parallel_loop3A_601, %parallel_loop3A_626 : i32
        %parallel_loop3A_628 = arith.constant 0 : i32
        %parallel_loop3A_629 = tpu.memref_slice %arg11[%parallel_loop3A_627, %parallel_loop3A_628] : memref<768x64xf32, #tpu.memory_space<vmem>> -> memref<1x64xf32, #tpu.memory_space<vmem>>
        %parallel_loop3A_630 = arith.constant 0 : i32
        %parallel_loop3A_631 = tpu.memref_slice %arg6[%parallel_loop3A_625, %parallel_loop3A_630] : memref<1000001x64xf32, #tpu.memory_space<hbm>> -> memref<1x64xf32, #tpu.memory_space<hbm>>
        %parallel_loop3A_632 = arith.constant 0 : i32
        %parallel_loop3A_633 = tpu.memref_slice %arg11[%parallel_loop3A_627, %parallel_loop3A_632] : memref<768x64xf32, #tpu.memory_space<vmem>> -> memref<1x64xf32, #tpu.memory_space<vmem>>
        %parallel_loop3A_634 = arith.constant 0 : i32
        %parallel_loop3A_635 = tpu.memref_slice %arg6[%parallel_loop3A_625, %parallel_loop3A_634] : memref<1000001x64xf32, #tpu.memory_space<hbm>> -> memref<1x64xf32, #tpu.memory_space<hbm>>
        tpu.enqueue_dma source(%parallel_loop3A_635 : memref<1x64xf32, #tpu.memory_space<hbm>>) target(%parallel_loop3A_633 : memref<1x64xf32, #tpu.memory_space<vmem>>) target_semaphore(%arg12 : memref<!tpu.dma_semaphore, #tpu.memory_space<semaphore_mem>>)
        %parallel_loop3A_636 = arith.constant 16 : i32
        %parallel_loop3A_637 = arith.muli %parallel_loop3A_21, %parallel_loop3A_636 : i32
        %parallel_loop3A_638 = arith.constant 15 : i32
        %parallel_loop3A_639 = arith.addi %parallel_loop3A_637, %parallel_loop3A_638 : i32
        %parallel_loop3A_640 = arith.constant 3 : i32
        %parallel_loop3A_641 = arith.muli %parallel_loop3A_640, %parallel_loop3A_639 : i32
        %parallel_loop3A_642 = vector.extract_strided_slice %parallel_loop3A_29 {offsets = [15], sizes = [1], strides = [1]} : vector<16xi32> to vector<1xi32>
        %parallel_loop3A_643 = vector.extract %parallel_loop3A_642[0] : i32 from vector<1xi32>
        %parallel_loop3A_644 = arith.constant 0 : i32
        %parallel_loop3A_645 = tpu.memref_slice %arg11[%parallel_loop3A_641, %parallel_loop3A_644] : memref<768x64xf32, #tpu.memory_space<vmem>> -> memref<1x64xf32, #tpu.memory_space<vmem>>
        %parallel_loop3A_646 = arith.constant 0 : i32
        %parallel_loop3A_647 = tpu.memref_slice %arg5[%parallel_loop3A_643, %parallel_loop3A_646] : memref<1000000x64xf32, #tpu.memory_space<hbm>> -> memref<1x64xf32, #tpu.memory_space<hbm>>
        %parallel_loop3A_648 = arith.constant 0 : i32
        %parallel_loop3A_649 = tpu.memref_slice %arg11[%parallel_loop3A_641, %parallel_loop3A_648] : memref<768x64xf32, #tpu.memory_space<vmem>> -> memref<1x64xf32, #tpu.memory_space<vmem>>
        %parallel_loop3A_650 = arith.constant 0 : i32
        %parallel_loop3A_651 = tpu.memref_slice %arg5[%parallel_loop3A_643, %parallel_loop3A_650] : memref<1000000x64xf32, #tpu.memory_space<hbm>> -> memref<1x64xf32, #tpu.memory_space<hbm>>
        tpu.enqueue_dma source(%parallel_loop3A_651 : memref<1x64xf32, #tpu.memory_space<hbm>>) target(%parallel_loop3A_649 : memref<1x64xf32, #tpu.memory_space<vmem>>) target_semaphore(%arg12 : memref<!tpu.dma_semaphore, #tpu.memory_space<semaphore_mem>>)
        %parallel_loop3A_652 = vector.extract_strided_slice %parallel_loop3A_32 {offsets = [15], sizes = [1], strides = [1]} : vector<16xi32> to vector<1xi32>
        %parallel_loop3A_653 = vector.extract %parallel_loop3A_652[0] : i32 from vector<1xi32>
        %parallel_loop3A_654 = arith.constant 1 : i32
        %parallel_loop3A_655 = arith.addi %parallel_loop3A_641, %parallel_loop3A_654 : i32
        %parallel_loop3A_656 = arith.constant 0 : i32
        %parallel_loop3A_657 = tpu.memref_slice %arg11[%parallel_loop3A_655, %parallel_loop3A_656] : memref<768x64xf32, #tpu.memory_space<vmem>> -> memref<1x64xf32, #tpu.memory_space<vmem>>
        %parallel_loop3A_658 = arith.constant 0 : i32
        %parallel_loop3A_659 = tpu.memref_slice %arg6[%parallel_loop3A_653, %parallel_loop3A_658] : memref<1000001x64xf32, #tpu.memory_space<hbm>> -> memref<1x64xf32, #tpu.memory_space<hbm>>
        %parallel_loop3A_660 = arith.constant 0 : i32
        %parallel_loop3A_661 = tpu.memref_slice %arg11[%parallel_loop3A_655, %parallel_loop3A_660] : memref<768x64xf32, #tpu.memory_space<vmem>> -> memref<1x64xf32, #tpu.memory_space<vmem>>
        %parallel_loop3A_662 = arith.constant 0 : i32
        %parallel_loop3A_663 = tpu.memref_slice %arg6[%parallel_loop3A_653, %parallel_loop3A_662] : memref<1000001x64xf32, #tpu.memory_space<hbm>> -> memref<1x64xf32, #tpu.memory_space<hbm>>
        tpu.enqueue_dma source(%parallel_loop3A_663 : memref<1x64xf32, #tpu.memory_space<hbm>>) target(%parallel_loop3A_661 : memref<1x64xf32, #tpu.memory_space<vmem>>) target_semaphore(%arg12 : memref<!tpu.dma_semaphore, #tpu.memory_space<semaphore_mem>>)
        %parallel_loop3A_664 = vector.extract_strided_slice %parallel_loop3A_35 {offsets = [15], sizes = [1], strides = [1]} : vector<16xi32> to vector<1xi32>
        %parallel_loop3A_665 = vector.extract %parallel_loop3A_664[0] : i32 from vector<1xi32>
        %parallel_loop3A_666 = arith.constant 2 : i32
        %parallel_loop3A_667 = arith.addi %parallel_loop3A_641, %parallel_loop3A_666 : i32
        %parallel_loop3A_668 = arith.constant 0 : i32
        %parallel_loop3A_669 = tpu.memref_slice %arg11[%parallel_loop3A_667, %parallel_loop3A_668] : memref<768x64xf32, #tpu.memory_space<vmem>> -> memref<1x64xf32, #tpu.memory_space<vmem>>
        %parallel_loop3A_670 = arith.constant 0 : i32
        %parallel_loop3A_671 = tpu.memref_slice %arg6[%parallel_loop3A_665, %parallel_loop3A_670] : memref<1000001x64xf32, #tpu.memory_space<hbm>> -> memref<1x64xf32, #tpu.memory_space<hbm>>
        %parallel_loop3A_672 = arith.constant 0 : i32
        %parallel_loop3A_673 = tpu.memref_slice %arg11[%parallel_loop3A_667, %parallel_loop3A_672] : memref<768x64xf32, #tpu.memory_space<vmem>> -> memref<1x64xf32, #tpu.memory_space<vmem>>
        %parallel_loop3A_674 = arith.constant 0 : i32
        %parallel_loop3A_675 = tpu.memref_slice %arg6[%parallel_loop3A_665, %parallel_loop3A_674] : memref<1000001x64xf32, #tpu.memory_space<hbm>> -> memref<1x64xf32, #tpu.memory_space<hbm>>
        tpu.enqueue_dma source(%parallel_loop3A_675 : memref<1x64xf32, #tpu.memory_space<hbm>>) target(%parallel_loop3A_673 : memref<1x64xf32, #tpu.memory_space<vmem>>) target_semaphore(%arg12 : memref<!tpu.dma_semaphore, #tpu.memory_space<semaphore_mem>>)
      } {sc.loop_unroll_factor = 2 : i64, sc.parallel_access}
      %dma_wait3A = arith.constant 0 : i32
      %dma_wait3A_11 = arith.constant 0 : i32
      %dma_wait3A_12 = tpu.memref_slice %arg5[%dma_wait3A, %dma_wait3A_11] : memref<1000000x64xf32, #tpu.memory_space<hbm>> -> memref<768x64xf32, #tpu.memory_space<hbm>>
      %dma_wait3A_13 = arith.constant 0 : i32
      %dma_wait3A_14 = arith.constant 0 : i32
      %dma_wait3A_15 = tpu.memref_slice %arg5[%dma_wait3A_13, %dma_wait3A_14] : memref<1000000x64xf32, #tpu.memory_space<hbm>> -> memref<768x64xf32, #tpu.memory_space<hbm>>
      tpu.wait_dma2 semaphore(%arg12 : memref<!tpu.dma_semaphore, #tpu.memory_space<semaphore_mem>>) src(%dma_wait3A_15 : memref<768x64xf32, #tpu.memory_space<hbm>>) dst(%arg11 : memref<768x64xf32, #tpu.memory_space<vmem>>)
      %mul3A_16 = arith.constant 256 : i32
      %mul3A_17 = arith.muli %scan3A_8, %mul3A_16 : i32
      %add3A_18 = arith.addi %mul3A_2, %mul3A_17 : i32
      %mul3A_19 = arith.constant 3 : i32
      %mul3A_20 = arith.muli %mul3A_19, %add3A_18 : i32
      "tpu.region"() ({
        %run_scoped3A = tpu.sem_alloc : memref<!tpu.dma_semaphore, #tpu.memory_space<semaphore_mem>>
        %dma_start3A = arith.constant 0 : i32
        %dma_start3A_21 = tpu.memref_slice %arg7[%mul3A_20, %dma_start3A] : memref<49152x64xf32, #tpu.memory_space<hbm>> -> memref<768x64xf32, #tpu.memory_space<hbm>>
        %dma_start3A_22 = arith.constant 0 : i32
        %dma_start3A_23 = tpu.memref_slice %arg7[%mul3A_20, %dma_start3A_22] : memref<49152x64xf32, #tpu.memory_space<hbm>> -> memref<768x64xf32, #tpu.memory_space<hbm>>
        tpu.enqueue_dma source(%arg11 : memref<768x64xf32, #tpu.memory_space<vmem>>) target(%dma_start3A_23 : memref<768x64xf32, #tpu.memory_space<hbm>>) target_semaphore(%run_scoped3A : memref<!tpu.dma_semaphore, #tpu.memory_space<semaphore_mem>>)
        %dma_wait3A_24 = arith.constant 0 : i32
        %dma_wait3A_25 = tpu.memref_slice %arg7[%mul3A_20, %dma_wait3A_24] : memref<49152x64xf32, #tpu.memory_space<hbm>> -> memref<768x64xf32, #tpu.memory_space<hbm>>
        %dma_wait3A_26 = arith.constant 0 : i32
        %dma_wait3A_27 = tpu.memref_slice %arg7[%mul3A_20, %dma_wait3A_26] : memref<49152x64xf32, #tpu.memory_space<hbm>> -> memref<768x64xf32, #tpu.memory_space<hbm>>
        tpu.wait_dma2 semaphore(%run_scoped3A : memref<!tpu.dma_semaphore, #tpu.memory_space<semaphore_mem>>) src(%arg11 : memref<768x64xf32, #tpu.memory_space<vmem>>) dst(%dma_wait3A_27 : memref<768x64xf32, #tpu.memory_space<hbm>>)
        tpu.yield
      }) : () -> ()
    }
    %scan3A_7 = arith.constant 2 : i32
    return
  }
}

</mosaic_0001>

<sc_bundles>
// kernel: kernel.3.cloned.1.call-start
scs
__scs_entry_jumppad:
0x0: {  	(pc) =	sbr.rel $0x88, $3  }
0x1: {  	(tag) =	ssettag $0x0;
	lr =	simm.s32 $0x1  }
0x2: {  	[smem:$0x3F9E] =	sst lr;
	_ =	strace $0xD0000000  }
0x3: {  	_ = 	snop  }
0x4: {  	_ = 	snop  }
0x5: {  	_ = 	snop  }
0x6: {  	_ = 	snop  }
0x7: {  	_ = 	snop  }
__scs_overlays_trampoline_lowered:
0x8: {  	[smem:$0x3FAD] =	sst s0  }
0x9: {  	[smem:$0x3FAE] =	sst s1  }
0xa: {  	[smem:$0x3FAF] =	sst s2  }
0xb: {  	[smem:$0x3FB0] =	sst s3  }
0xc: {  	[smem:$0x3FB1] =	sst s4  }
0xd: {  	[smem:$0x3FB2] =	sst s5  }
0xe: {  	[smem:$0x3FB3] =	sst s6  }
0xf: {  	[smem:$0x3FB4] =	sst s7  }
0x10: {  	[smem:$0x3FB5] =	sst s8  }
0x11: {  	[smem:$0x3FB6] =	sst s9;
	s0 =	simm.s32 @!p0 $0x0  }
0x12: {  	s1 =	sld [smem:$0x3F9C];
	s0 =	simm.s32 @p0 $0x1  }
0x13: {  	[smem:$0x3FB7] =	sst s0;
	s0 =	simm.s32 @!p1 $0x0  }
0x14: {  	s2 =	sld [smem:$0x3F9B];
	s0 =	simm.s32 @p1 $0x1  }
0x15: {  	[smem:$0x3FB8] =	sst s0;
	s0 =	simm.s32 @!p2 $0x0  }
0x16: {  	s3 =	sld [smem:$0x3FDB];
	s0 =	simm.s32 @p2 $0x1  }
0x17: {  	s4 =	simm.s32 $0x1BF5;
	[smem:$0x3FBA] =	sst s0  }
0x18: {  	s0 =	sld [smem:$0x3F9D];
	_ =	swait.ge [sflag:s4], $0x0  }
0x19: {  	s7 =	sld [smem:$0x3F9E]  }
0x1a: {  	s8 =	sadd.s32 $0xFFFFE003, lr  }
0x1b: {  	s9 =	sadd.s32 $0xFFFFFEF7, lr;
	s5 =	simm.s32 $0xFFFFFFFF;
	p2 =	slt.u32 s8, $0xFFFFF086  }
0x1c: {  	p1 =	slt.u32 s9, $0xF7A;
	s5 =	simm.s32 @!p2 $0x0  }
0x1d: {  	s5 =	simm.s32 @p1 $0x1;
	p0 =	seq.s32 s7, s2  }
0x1e: {  	s7 =	smul.u32 @!p0 $0xF7A, s2;
	p2 =	seq.s32 @!p0 s5, $0x0  }
0x1f: {  	s9 =	smul.u32 $0xF7A, s1;
	s8 =	simm.s32 @!p0 $0x1BF5;
	p2 =	por !p2, p0  }
0x20: {  	[sflag:s8] =	ssyncset.s32 @!p0 $0xFFFFF086;
	s6 =	sadd.s32 @!p0 s3, s7;
	s7 =	simm.s32 @!p0 $0x108  }
0x21: {  	s3 =	sadd.s32 s3, s9;
	s6 =	sadd.s32 @!p0 $0x88, s6;
	s7 =	simm.s32 @p2 $0x1082  }
0x22: {  	[simem:s7], [sflag:s8] =	dma.local @!p0 [hbm:s6], $0xF7A  }
0x23: {  	s9 =	sor.u32 $0xD0000000, s2;
	s6 =	simm.s32 $0x108;
	_ =	swait.ge @!p0 [sflag:s8], $0x0  }
0x24: {  	s3 =	sadd.s32 $0x88, s3;
	s6 =	simm.s32 @!p1 $0x1082;
	[sflag:s4] =	ssyncset.s32 $0xFFFFF086  }
0x25: {  	[simem:s6], [sflag:s4] =	dma.local [hbm:s3], $0xF7A  }
0x26: {  	[smem:$0x3F9E] =	sst s1;
	(tag) =	ssettag s2;
	_ =	strace s9  }
0x27: {  	s1 =	sld [smem:$0x3FAE]  }
0x28: {  	s2 =	sld [smem:$0x3FAF]  }
0x29: {  	s4 =	sld [smem:$0x3FB1]  }
0x2a: {  	p0 =	seq.s32 s5, $0x0;
	s5 =	sld [smem:$0x3FB2]  }
0x2b: {  	s6 =	sld [smem:$0x3FB3]  }
0x2c: {  	s7 =	sld [smem:$0x3FB4]  }
0x2d: {  	s3 =	simm.s32 $0x108;
	s8 =	sld [smem:$0x3FB5]  }
0x2e: {  	s3 =	simm.s32 @!p0 $0x1082;
	s9 =	sld [smem:$0x3FB6]  }
0x2f: {  	lr =	sadd.s32 s0, s3;
	s0 =	sld [smem:$0x3FAD]  }
0x30: {  	s3 =	sld [smem:$0x3FB0]  }
0x31: {  	[smem:$0x3FB9] =	sst s10  }
0x32: {  	s10 =	sld [smem:$0x3FB7];
	_ =	sdelay $0x3  }
0x33: {  	p0 =	seq.s32 s10, $0x1;
	s10 =	sld [smem:$0x3FB9];
	_ =	sdelay $0x3  }
0x34: {  	[smem:$0x3FB9] =	sst s10  }
0x35: {  	s10 =	sld [smem:$0x3FB8];
	_ =	sdelay $0x3  }
0x36: {  	p1 =	seq.s32 s10, $0x1;
	s10 =	sld [smem:$0x3FB9];
	_ =	sdelay $0x3  }
0x37: {  	[smem:$0x3FB9] =	sst s10  }
0x38: {  	s10 =	sld [smem:$0x3FBA]  }
0x39: {  	_ = 	snop;
	(pc) =	sbr.ind lr, $3  }
0x3a: {  	_ = 	snop  }
0x3b: {  	_ = 	snop  }
0x3c: {  	p2 =	seq.s32 s10, $0x1;
	s10 =	sld [smem:$0x3FB9]  }
0x3d: {  	_ =	shalt  }
0x3e: {  	_ =	shalt  }
0x3f: {  	_ =	shalt  }
0x40: {  	_ =	shalt  }
0x41: {  	_ =	shalt  }
0x42: {  	_ =	shalt  }
0x43: {  	_ =	shalt  }
0x44: {  	_ =	shalt  }
0x45: {  	_ =	shalt  }
0x46: {  	_ =	shalt  }
0x47: {  	_ =	shalt  }
0x48: {  	_ =	shalt  }
0x49: {  	_ =	shalt  }
0x4a: {  	_ =	shalt  }
0x4b: {  	_ =	shalt  }
0x4c: {  	_ =	shalt  }
0x4d: {  	_ =	shalt  }
0x4e: {  	_ =	shalt  }
0x4f: {  	_ =	shalt  }
0x50: {  	_ =	shalt  }
0x51: {  	_ =	shalt  }
0x52: {  	_ =	shalt  }
0x53: {  	_ =	shalt  }
0x54: {  	_ =	shalt  }
0x55: {  	_ =	shalt  }
0x56: {  	_ =	shalt  }
0x57: {  	_ =	shalt  }
0x58: {  	_ =	shalt  }
0x59: {  	_ =	shalt  }
0x5a: {  	_ =	shalt  }
0x5b: {  	_ =	shalt  }
0x5c: {  	_ =	shalt  }
0x5d: {  	_ =	shalt  }
0x5e: {  	_ =	shalt  }
0x5f: {  	_ =	shalt  }
0x60: {  	_ =	shalt  }
0x61: {  	_ =	shalt  }
0x62: {  	_ =	shalt  }
0x63: {  	_ =	shalt  }
0x64: {  	_ =	shalt  }
0x65: {  	_ =	shalt  }
0x66: {  	_ =	shalt  }
0x67: {  	_ =	shalt  }
0x68: {  	_ =	shalt  }
0x69: {  	_ =	shalt  }
0x6a: {  	_ =	shalt  }
0x6b: {  	_ =	shalt  }
0x6c: {  	_ =	shalt  }
0x6d: {  	_ =	shalt  }
0x6e: {  	_ =	shalt  }
0x6f: {  	_ =	shalt  }
0x70: {  	_ =	shalt  }
0x71: {  	_ =	shalt  }
0x72: {  	_ =	shalt  }
0x73: {  	_ =	shalt  }
0x74: {  	_ =	shalt  }
0x75: {  	_ =	shalt  }
0x76: {  	_ =	shalt  }
0x77: {  	_ =	shalt  }
0x78: {  	_ =	shalt  }
0x79: {  	_ =	shalt  }
0x7a: {  	_ =	shalt  }
0x7b: {  	_ =	shalt  }
0x7c: {  	_ =	shalt  }
0x7d: {  	_ =	shalt  }
0x7e: {  	_ =	shalt  }
0x7f: {  	_ =	shalt  }
0x80: {  	_ =	shalt  }
0x81: {  	_ =	shalt  }
0x82: {  	_ =	shalt  }
0x83: {  	_ =	shalt  }
0x84: {  	_ =	shalt  }
0x85: {  	_ =	shalt  }
0x86: {  	_ =	shalt  }
0x87: {  	_ =	shalt  }
.Lfunc_end0:
.L_simem_size_0:
called_computation_lowered:
.L_overlay_start_0:
0x88: {  	s2 =	sld [smem:$0x3FD9]  }
0x89: {  	s3 =	sld [smem:$0x3FFE];
	_ =	sdelay $0x1  }
0x8a: {  	s1 =	srdreg.scid  }
0x8b: {  	s0 =	sand.u32 $0x1, s1  }
0x8c: {  	s17 =	sshll.u32 s0, $0xA;
	s2 =	sadd.s32 s3, s2  }
0x8d: {  	s2 =	sadd.s32 s2, s17  }
0x8e: {  	[smem:$0x3FC5] =	sst s2  }
0x8f: {  	_ = 	snop  }
0x90: {  	s2 =	sld [smem:$0x3FD0];
	(tm) =	ssettm $0x1  }
0x91: {  	s18 =	sld [smem:$0x3FFB];
	_ =	sdelay $0x3  }
0x92: {  	_ =	strace s18  }
0x93: {  	s3 =	sld [smem:$0x3FFC];
	_ =	sdelay $0x3  }
0x94: {  	_ =	strace s3  }
0x95: {  	s3 =	sld [smem:$0x3FFD];
	_ =	sdelay $0x3  }
0x96: {  	_ =	strace s3  }
0x97: {  	_ =	strace $0x8FFFFFFF  }
0x98: {  	s19 =	sld [smem:$0x3FDB];
	_ =	sdelay $0x1  }
0x99: {  	s4 =	simm.s32 $_scs_section_size  }
0x9a: {  	s5 =	simm.s32 $_size__tile_overlayer_lowered;
	s6 =	simm.s32 $_tile_overlayer_lowered  }
0x9b: {  	s22 =	simm.s32 $0x1BFF;
	s21 =	sshll.u32 s6, $0x1;
	s3 =	sadd.s32 s4, s19  }
0x9c: {  	s7 =	simm.s32 $0x0;
	s20 =	sshll.u32 s5, $0x1;
	s5 =	sadd.s32 s21, s3  }
0x9d: {  	[timem:s7], [sflag:s22] =	dma.local [hbm:s5], s20  }
0x9e: {  	_ =	swait.ge [sflag:s22], s20  }
0x9f: {  	s4 =	ssub.s32 $0x0, s20;
	[sflag:s22] =	ssyncset.done $0x0  }
0xa0: {  	[sflag:s22] =	ssyncadd.s32 s4;
	_ =	sdelay $0x1  }
0xa1: {  	s23 =	simm.s32 $0x1B8B  }
0xa2: {  	_ =	swait.ge [sflag:s23], $0x1  }
0xa3: {  	[sflag:s23] =	ssyncset.done $0x0  }
0xa4: {  	s25 =	simm.s32 $0x1B8E;
	s24 =	sld [smem:$0x3FFE];
	[sflag:s23] =	ssyncadd.s32 $0xFFFFFFFF  }
0xa5: {  	s26 =	simm.s32 $execute0_lowered;
	[smem:$0x3FD2] =	sst s25  }
0xa6: {  	s5 =	sshll.u32 s26, $0x1;
	_ =	strace $0x80000046;
	[dreg:$0x1] =	wrdreg $0xFFFFFFFF  }
0xa7: {  	s28 =	simm.s32 $_size_execute0_lowered;
	s3 =	sadd.s32 s3, s5;
	[dreg:$0x0] =	wrdreg $0x0  }
0xa8: {  	s5 =	sshll.u32 s28, $0x1;
	[dreg:$0x2] =	wrdreg s3  }
0xa9: {  	[dreg:$0x3] =	wrdreg s5  }
0xaa: {  	[dreg:$0x4] =	wrdreg $0xC0  }
0xab: {  	_ =	task [dreg:s7], $0x5FFFF  }
0xac: {  	[dreg:$0x1] =	wrdreg $0xFFFFFFFF  }
0xad: {  	[dreg:$0x0] =	wrdreg $0x60  }
0xae: {  	[dreg:$0x2] =	wrdreg s24  }
0xaf: {  	[dreg:$0x3] =	wrdreg s2  }
0xb0: {  	[dreg:$0x4] =	wrdreg $0x9  }
0xb1: {  	_ =	task.clear_ibuf [dreg:s7], $0x5FFFF;
	_ =	strace $0x90000046  }
0xb2: {  	s29 =	simm.s32 $0x9;
	_ =	strace $0x80000048  }
0xb3: {  	_ =	swait.ge [sflag:s29], $0x1  }
0xb4: {  	[sflag:s29] =	ssyncadd.s32 $0xFFFFFFFF  }
0xb5: {  	_ =	strace $0x90000048  }
0xb6: {  	_ =	sfence  }
0xb7: {  	s30 =	sld [smem:$0x0];
	_ =	sdelay $0x2  }
0xb8: {  	s31 =	sshll.u32 s1, $0xD;
	s1 =	sshrl.u32 s1, $0x2  }
0xb9: {  	s3 =	sand.u32 $0x4000, s31;
	s1 =	sadd.s32 s1, s30  }
0xba: {  	s0 =	sor.u32 s3, s0;
	s1 =	sshll.u32 s1, $0x11  }
0xbb: {  	s0 =	sor.u32 s1, s0  }
0xbc: {  	s0 =	sadd.s32 $0x8F2B, s0  }
0xbd: {  	[sflag:s0] =	ssyncadd.remote.s32 $0x1  }
0xbe: {  	_ =	sfence.sel $0xFFFF  }
0xbf: {  	[dreg:$0x0] =	wrdreg $0xFFFFFFFF;
	(pc) =	sbr.abs _section_cstart, $3  }
0xc0: {  	[dreg:$0x1] =	wrdreg $0xFFFFFFFF  }
0xc1: {  	_ =	task.clear_ibuf [dreg:s7], $0x2FFFF;
	_ =	strace $0x9FFFFFFF  }
0xc2: {  	(tm) =	ssettm $0x7FFFFFFF  }
0xc3: {  	_ =	shalt  }
tec
execute0_lowered:
.L_overlay_start_1:
0x0: {  	(tag) =	ssettag $0x1  }
0x1: {  	s0 =	srdreg.scid;
	s1 =	rddreg [dreg:$0x0]  }
0x2: {  	s2 =	stileid.u32;
	s3 =	rddreg [dreg:$0x1]  }
0x3: {  	s0 =	sand.u32 $0x1, s0;
	s4 =	sshll.u32 s2, $0xA;
	s2 =	simm.s32 $0x0  }
0x4: {  	s30 =	sadd.s32 $0x1600, s1;
	s5 =	sshll.u32 s0, $0x9;
	[smem:$0x7FF] =	sst s2  }
0x5: {  	s0 =	ssub.s32 $0x2, s0;
	s4 =	sor.u32 s5, s4;
	s5 =	sadd.s32 $0xF43A00, s1  }
0x6: {  	s8 =	sshrl.u32 s0, $0x1;
	[smem:$0x7F8] =	sst s4;
	s6 =	sshrl.u32 s4, $0x3  }
0x7: {  	s0 =	ssub.s32 s0, s8;
	s7 =	sadd.s32 s6, s1;
	s1 =	sadd.s32 $0x1E86000, s1  }
0x8: {  	_ =	strace $0x80000047;
	s31 =	sadd.s32 s3, s6;
	[smem:$0x7F9] =	sst s1  }
0x9: {  	s0 =	smax.u32 s0, $0x1;
	[smem:$0x7FC] =	sst s31  }
0xa: {  	s28 =	sadd.s32 $0xE00, s7;
	[smem:$0x7FD] =	sst s0  }
0xb: {  	s29 =	sadd.s32 $0x600, s7;
	[smem:$0x7FA] =	sst s28  }
0xc: {  	s1 =	simm.s32 $0x0;
	[smem:$0x7FB] =	sst s29  }
.LBB2_1:
0xd: {  	s0 =	sld [smem:$0x7FA];
	_ =	sdelay $0x1  }
0xe: {  	[smem:$0x7F7] =	sst s1;
	s26 =	simm.s32 $0x2  }
0xf: {  	[tilespmem:s2], [sflag:$0x2] =	stream.linear.gather [hbm4b:s0+s2], $0x200, $0x38;
	[tilespmem:$0x18600] =	vst v63  }
0x10: {  	_ =	swait.ge [sflag:s26], $0x200  }
0x11: {  	s28 =	sld [smem:$0x7FB]  }
0x12: {  	[sflag:s26] =	ssyncset.done $0x0  }
0x13: {  	s3 =	simm.s32 $0x200;
	[sflag:s26] =	ssyncadd.s32 $0xFFFFFE00  }
0x14: {  	[tilespmem:s3], [sflag:$0x2] =	stream.linear.gather [hbm4b:s28+s2], $0x200, $0x38;
	[tilespmem:$0x18600] =	vst v63  }
0x15: {  	_ =	swait.ge [sflag:s26], $0x200  }
0x16: {  	s29 =	sld [smem:$0x7FC]  }
0x17: {  	[sflag:s26] =	ssyncset.done $0x0  }
0x18: {  	s31 =	simm.s32 $0x400;
	[sflag:s26] =	ssyncadd.s32 $0xFFFFFE00  }
0x19: {  	[tilespmem:s31], [sflag:$0x2] =	stream.linear.gather [hbm4b:s29+s2], $0x200, $0x38;
	[tilespmem:$0x18600] =	vst v63  }
0x1a: {  	_ =	swait.ge [sflag:s26], $0x200  }
0x1b: {  	[sflag:s26] =	ssyncset.done $0x0  }
0x1c: {  	p1 =	por $0x1, $0x1;
	s0 =	simm.s32 $0x0;
	[sflag:s26] =	ssyncadd.s32 $0xFFFFFE00  }
.LBB2_2:
0x1d: {  	s25 =	sshll.u32 s0, $0x2  }
0x1e: {  	[smem:$0x7E6] =	sst s0;
	s0 =	sshra.s32 s25, $0x2  }
0x1f: {  	s3 =	sadd.s32 $0x10, s0  }
0x20: {  	s1 =	sadd.s32 $0x210, s0;
	v0 =	vld [tilespmem:s3+$0xFFFFFFF0]  }
0x21: {  	s0 =	sadd.s32 $0x410, s0;
	v1 =	vld [tilespmem:s1+$0xFFFFFFF0]  }
0x22: {  	v3 =	vld [tilespmem:s0+$0xFFFFFFF0];
	_ =	sdelay $0x2  }
0x23: {  	v2 =	vshll.u32 v0, $0x4  }
0x24: {  	v1 =	vshll.u32 v1, $0x4;
	(v2sf) =	vpush v2, $0x0  }
0x25: {  	v0 =	vshll.u32 v3, $0x4;
	(v2sf) =	vpush v1, $0x0  }
0x26: {  	(v2sf) =	vpush v0, $0x0;
	_ =	sdelay $0x3  }
0x27: {  	(v2sf) =	vpush v2, $0x1;
	_ =	sdelay $0x1  }
0x28: {  	(v2sf) =	vpush v1, $0x1  }
0x29: {  	(v2sf) =	vpush v0, $0x1;
	_ =	sdelay $0x1  }
0x2a: {  	s8 =	simm.s32 $0x1B80;
	s7 =	simm.s32 $0x1C00;
	s6 =	simm.s32 $0x1C80  }
0x2b: {  	s4 =	simm.s32 $0x1A00;
	s10 =	simm.s32 $0x1A80;
	s9 =	simm.s32 $0x1B00  }
0x2c: {  	s14 =	simm.s32 $0x1880;
	s24 =	simm.s32 $0x1900;
	s13 =	simm.s32 $0x1980;
	(v2sf) =	vpush v2, $0x2  }
0x2d: {  	s17 =	simm.s32 $0x1700;
	s12 =	simm.s32 $0x1780;
	s20 =	simm.s32 $0x1600  }
0x2e: {  	s19 =	simm.s32 $0x1680;
	s21 =	simm.s32 $0x1580;
	(v2sf) =	vpush v1, $0x2;
	s25 =	spop (v2sf)  }
0x2f: {  	s26 =	simm.s32 $0x600;
	(v2sf) =	vpush v0, $0x2;
	s25 =	sand.u32 $0x1FFFFFF0, s25;
	s28 =	spop (v2sf)  }
0x30: {  	s25 =	sadd.s32 s30, s25;
	s28 =	sand.u32 $0x1FFFFFF0, s28;
	s29 =	spop (v2sf)  }
0x31: {  	[tilespmem:s26], [sflag:$0x1] =	stream.linear.gather [hbm4b:s25+s2], $0x80, $0x38;
	[tilespmem:$0x18600] =	vst v63  }
0x32: {  	s26 =	simm.s32 $0x680;
	s16 =	sadd.s32 s5, s28;
	s28 =	sand.u32 $0x1FFFFFF0, s29  }
0x33: {  	(v2sf) =	vpush v2, $0x3;
	[tilespmem:s26], [sflag:$0x1] =	stream.linear.gather [hbm4b:s16+s2], $0x80, $0x38;
	[tilespmem:$0x18600] =	vst v63  }
0x34: {  	s28 =	sadd.s32 s5, s28;
	s16 =	simm.s32 $0x700;
	s26 =	spop (v2sf)  }
0x35: {  	(v2sf) =	vpush v1, $0x3;
	[tilespmem:s16], [sflag:$0x1] =	stream.linear.gather [hbm4b:s28+s2], $0x80, $0x38;
	[tilespmem:$0x18600] =	vst v63  }
0x36: {  	(v2sf) =	vpush v0, $0x3;
	s26 =	sand.u32 $0x1FFFFFF0, s26;
	s16 =	simm.s32 $0x780;
	s28 =	spop (v2sf)  }
0x37: {  	s26 =	sadd.s32 s30, s26;
	s28 =	sand.u32 $0x1FFFFFF0, s28;
	s29 =	spop (v2sf)  }
0x38: {  	[tilespmem:s16], [sflag:$0x1] =	stream.linear.gather [hbm4b:s26+s2], $0x80, $0x38;
	[tilespmem:$0x18600] =	vst v63  }
0x39: {  	s26 =	simm.s32 $0x800;
	s16 =	sadd.s32 s5, s28;
	s28 =	sand.u32 $0x1FFFFFF0, s29  }
0x3a: {  	(v2sf) =	vpush v2, $0x4;
	[tilespmem:s26], [sflag:$0x1] =	stream.linear.gather [hbm4b:s16+s2], $0x80, $0x38;
	[tilespmem:$0x18600] =	vst v63  }
0x3b: {  	s28 =	sadd.s32 s5, s28;
	s16 =	simm.s32 $0x880;
	s26 =	spop (v2sf)  }
0x3c: {  	(v2sf) =	vpush v1, $0x4;
	[tilespmem:s16], [sflag:$0x1] =	stream.linear.gather [hbm4b:s28+s2], $0x80, $0x38;
	[tilespmem:$0x18600] =	vst v63  }
0x3d: {  	(v2sf) =	vpush v0, $0x4;
	s26 =	sand.u32 $0x1FFFFFF0, s26;
	s16 =	simm.s32 $0x900;
	s28 =	spop (v2sf)  }
0x3e: {  	s26 =	sadd.s32 s30, s26;
	s28 =	sand.u32 $0x1FFFFFF0, s28;
	s29 =	spop (v2sf)  }
0x3f: {  	[tilespmem:s16], [sflag:$0x1] =	stream.linear.gather [hbm4b:s26+s2], $0x80, $0x38;
	[tilespmem:$0x18600] =	vst v63  }
0x40: {  	s26 =	simm.s32 $0x980;
	s16 =	sadd.s32 s5, s28;
	s28 =	sand.u32 $0x1FFFFFF0, s29  }
0x41: {  	(v2sf) =	vpush v2, $0x5;
	[tilespmem:s26], [sflag:$0x1] =	stream.linear.gather [hbm4b:s16+s2], $0x80, $0x38;
	[tilespmem:$0x18600] =	vst v63  }
0x42: {  	s16 =	simm.s32 $0xA00;
	s26 =	spop (v2sf);
	s28 =	sadd.s32 s5, s28  }
0x43: {  	(v2sf) =	vpush v1, $0x5;
	[tilespmem:s16], [sflag:$0x1] =	stream.linear.gather [hbm4b:s28+s2], $0x80, $0x38;
	[tilespmem:$0x18600] =	vst v63  }
0x44: {  	(v2sf) =	vpush v0, $0x5;
	s26 =	sand.u32 $0x1FFFFFF0, s26;
	s16 =	simm.s32 $0xA80;
	s28 =	spop (v2sf)  }
0x45: {  	s26 =	sadd.s32 s30, s26;
	s28 =	sand.u32 $0x1FFFFFF0, s28;
	s29 =	spop (v2sf)  }
0x46: {  	[tilespmem:s16], [sflag:$0x1] =	stream.linear.gather [hbm4b:s26+s2], $0x80, $0x38;
	[tilespmem:$0x18600] =	vst v63  }
0x47: {  	s26 =	simm.s32 $0xB00;
	s16 =	sadd.s32 s5, s28;
	s28 =	sand.u32 $0x1FFFFFF0, s29  }
0x48: {  	(v2sf) =	vpush v2, $0x6;
	[tilespmem:s26], [sflag:$0x1] =	stream.linear.gather [hbm4b:s16+s2], $0x80, $0x38;
	[tilespmem:$0x18600] =	vst v63  }
0x49: {  	s28 =	sadd.s32 s5, s28;
	s16 =	simm.s32 $0xB80;
	s26 =	spop (v2sf)  }
0x4a: {  	(v2sf) =	vpush v1, $0x6;
	[tilespmem:s16], [sflag:$0x1] =	stream.linear.gather [hbm4b:s28+s2], $0x80, $0x38;
	[tilespmem:$0x18600] =	vst v63  }
0x4b: {  	s26 =	sand.u32 $0x1FFFFFF0, s26;
	s16 =	simm.s32 $0xC00;
	s28 =	spop (v2sf)  }
0x4c: {  	s26 =	sadd.s32 s30, s26;
	s28 =	sand.u32 $0x1FFFFFF0, s28;
	s29 =	spop (v2sf)  }
0x4d: {  	(v2sf) =	vpush v0, $0x6;
	[tilespmem:s16], [sflag:$0x1] =	stream.linear.gather [hbm4b:s26+s2], $0x80, $0x38;
	[tilespmem:$0x18600] =	vst v63  }
0x4e: {  	s26 =	simm.s32 $0xC80;
	s16 =	sadd.s32 s5, s28;
	s28 =	sand.u32 $0x1FFFFFF0, s29  }
0x4f: {  	(v2sf) =	vpush v2, $0x7;
	[tilespmem:s26], [sflag:$0x1] =	stream.linear.gather [hbm4b:s16+s2], $0x80, $0x38;
	[tilespmem:$0x18600] =	vst v63  }
0x50: {  	s28 =	sadd.s32 s5, s28;
	s16 =	simm.s32 $0xD00;
	s26 =	spop (v2sf)  }
0x51: {  	[tilespmem:s16], [sflag:$0x1] =	stream.linear.gather [hbm4b:s28+s2], $0x80, $0x38;
	[tilespmem:$0x18600] =	vst v63  }
0x52: {  	(v2sf) =	vpush v1, $0x7;
	s16 =	simm.s32 $0xD80;
	s26 =	sand.u32 $0x1FFFFFF0, s26;
	s28 =	spop (v2sf)  }
0x53: {  	s26 =	sadd.s32 s30, s26;
	s28 =	sand.u32 $0x1FFFFFF0, s28;
	s29 =	spop (v2sf)  }
0x54: {  	(v2sf) =	vpush v0, $0x7;
	[tilespmem:s16], [sflag:$0x1] =	stream.linear.gather [hbm4b:s26+s2], $0x80, $0x38;
	[tilespmem:$0x18600] =	vst v63  }
0x55: {  	s26 =	simm.s32 $0xE00;
	s16 =	sadd.s32 s5, s28;
	s28 =	sand.u32 $0x1FFFFFF0, s29  }
0x56: {  	[tilespmem:s26], [sflag:$0x1] =	stream.linear.gather [hbm4b:s16+s2], $0x80, $0x38;
	[tilespmem:$0x18600] =	vst v63  }
0x57: {  	(v2sf) =	vpush v2, $0x8;
	s16 =	simm.s32 $0xE80;
	s26 =	spop (v2sf);
	s28 =	sadd.s32 s5, s28  }
0x58: {  	[tilespmem:s16], [sflag:$0x1] =	stream.linear.gather [hbm4b:s28+s2], $0x80, $0x38;
	[tilespmem:$0x18600] =	vst v63  }
0x59: {  	s22 =	simm.s32 $0x1500;
	(v2sf) =	vpush v1, $0x8;
	s26 =	sand.u32 $0x1FFFFFF0, s26;
	s28 =	spop (v2sf)  }
0x5a: {  	(v2sf) =	vpush v0, $0x8;
	s16 =	simm.s32 $0xF00;
	s26 =	sadd.s32 s30, s26;
	s28 =	sand.u32 $0x1FFFFFF0, s28  }
0x5b: {  	[tilespmem:s16], [sflag:$0x1] =	stream.linear.gather [hbm4b:s26+s2], $0x80, $0x38;
	[tilespmem:$0x18600] =	vst v63  }
0x5c: {  	s29 =	spop (v2sf);
	s26 =	simm.s32 $0xF80;
	s16 =	sadd.s32 s5, s28  }
0x5d: {  	[tilespmem:s26], [sflag:$0x1] =	stream.linear.gather [hbm4b:s16+s2], $0x80, $0x38;
	[tilespmem:$0x18600] =	vst v63  }
0x5e: {  	s11 =	simm.s32 $0x1400;
	(v2sf) =	vpush v2, $0x9;
	s28 =	sand.u32 $0x1FFFFFF0, s29;
	s26 =	spop (v2sf)  }
0x5f: {  	s28 =	sadd.s32 s5, s28;
	s16 =	simm.s32 $0x1000;
	s26 =	sand.u32 $0x1FFFFFF0, s26  }
0x60: {  	(v2sf) =	vpush v1, $0x9;
	[tilespmem:s16], [sflag:$0x1] =	stream.linear.gather [hbm4b:s28+s2], $0x80, $0x38;
	[tilespmem:$0x18600] =	vst v63  }
0x61: {  	(v2sf) =	vpush v0, $0x9;
	s16 =	simm.s32 $0x1080;
	s26 =	sadd.s32 s30, s26;
	s28 =	spop (v2sf)  }
0x62: {  	[tilespmem:s16], [sflag:$0x1] =	stream.linear.gather [hbm4b:s26+s2], $0x80, $0x38;
	[tilespmem:$0x18600] =	vst v63  }
0x63: {  	s23 =	simm.s32 $0x1480;
	(v2sf) =	vpush v2, $0xA;
	s28 =	sand.u32 $0x1FFFFFF0, s28;
	s29 =	spop (v2sf)  }
0x64: {  	s26 =	simm.s32 $0x1100;
	s16 =	sadd.s32 s5, s28;
	s28 =	sand.u32 $0x1FFFFFF0, s29  }
0x65: {  	(v2sf) =	vpush v1, $0xA;
	[tilespmem:s26], [sflag:$0x1] =	stream.linear.gather [hbm4b:s16+s2], $0x80, $0x38;
	[tilespmem:$0x18600] =	vst v63  }
0x66: {  	s16 =	simm.s32 $0x1180;
	s26 =	spop (v2sf);
	s28 =	sadd.s32 s5, s28  }
0x67: {  	(v2sf) =	vpush v0, $0xA;
	[tilespmem:s16], [sflag:$0x1] =	stream.linear.gather [hbm4b:s28+s2], $0x80, $0x38;
	[tilespmem:$0x18600] =	vst v63  }
0x68: {  	s26 =	sand.u32 $0x1FFFFFF0, s26;
	s16 =	simm.s32 $0x1200;
	s28 =	spop (v2sf)  }
0x69: {  	(v2sf) =	vpush v2, $0xB;
	s26 =	sadd.s32 s30, s26;
	s28 =	sand.u32 $0x1FFFFFF0, s28;
	s29 =	spop (v2sf)  }
0x6a: {  	[tilespmem:s16], [sflag:$0x1] =	stream.linear.gather [hbm4b:s26+s2], $0x80, $0x38;
	[tilespmem:$0x18600] =	vst v63  }
0x6b: {  	(v2sf) =	vpush v1, $0xB;
	s26 =	simm.s32 $0x1280;
	s16 =	sadd.s32 s5, s28;
	s28 =	sand.u32 $0x1FFFFFF0, s29  }
0x6c: {  	[tilespmem:s26], [sflag:$0x1] =	stream.linear.gather [hbm4b:s16+s2], $0x80, $0x38;
	[tilespmem:$0x18600] =	vst v63  }
0x6d: {  	s28 =	sadd.s32 s5, s28;
	s16 =	simm.s32 $0x1300;
	s26 =	spop (v2sf);
	(v2sf) =	vpush v0, $0xB  }
0x6e: {  	[tilespmem:s16], [sflag:$0x1] =	stream.linear.gather [hbm4b:s28+s2], $0x80, $0x38;
	[tilespmem:$0x18600] =	vst v63  }
0x6f: {  	s26 =	sand.u32 $0x1FFFFFF0, s26;
	s16 =	simm.s32 $0x1380;
	s28 =	spop (v2sf);
	(v2sf) =	vpush v2, $0xC  }
0x70: {  	s26 =	sadd.s32 s30, s26;
	s28 =	sand.u32 $0x1FFFFFF0, s28;
	s29 =	spop (v2sf)  }
0x71: {  	(v2sf) =	vpush v1, $0xC;
	[tilespmem:s16], [sflag:$0x1] =	stream.linear.gather [hbm4b:s26+s2], $0x80, $0x38;
	[tilespmem:$0x18600] =	vst v63  }
0x72: {  	s26 =	sadd.s32 s5, s28;
	s16 =	sand.u32 $0x1FFFFFF0, s29;
	s28 =	spop (v2sf)  }
0x73: {  	[tilespmem:s11], [sflag:$0x1] =	stream.linear.gather [hbm4b:s26+s2], $0x80, $0x38;
	(v2sf) =	vpush v0, $0xC;
	[tilespmem:$0x18600] =	vst v63  }
0x74: {  	s25 =	sadd.s32 s5, s16;
	s16 =	sand.u32 $0x1FFFFFF0, s28;
	s26 =	spop (v2sf)  }
0x75: {  	(v2sf) =	vpush v2, $0xD;
	[tilespmem:s23], [sflag:$0x1] =	stream.linear.gather [hbm4b:s25+s2], $0x80, $0x38;
	[tilespmem:$0x18600] =	vst v63  }
0x76: {  	s16 =	sadd.s32 s30, s16;
	s25 =	sand.u32 $0x1FFFFFF0, s26;
	s26 =	spop (v2sf)  }
0x77: {  	[tilespmem:s22], [sflag:$0x1] =	stream.linear.gather [hbm4b:s16+s2], $0x80, $0x38;
	[tilespmem:$0x18600] =	vst v63  }
0x78: {  	(v2sf) =	vpush v1, $0xD;
	s11 =	sadd.s32 s5, s25;
	s16 =	sand.u32 $0x1FFFFFF0, s26;
	s25 =	spop (v2sf)  }
0x79: {  	[tilespmem:s21], [sflag:$0x1] =	stream.linear.gather [hbm4b:s11+s2], $0x80, $0x38;
	[tilespmem:$0x18600] =	vst v63  }
0x7a: {  	(v2sf) =	vpush v0, $0xD;
	s26 =	sadd.s32 s5, s16;
	s11 =	sand.u32 $0x1FFFFFF0, s25;
	s16 =	spop (v2sf)  }
0x7b: {  	[tilespmem:s20], [sflag:$0x1] =	stream.linear.gather [hbm4b:s26+s2], $0x80, $0x38;
	[tilespmem:$0x18600] =	vst v63  }
0x7c: {  	(v2sf) =	vpush v2, $0xE;
	s22 =	sadd.s32 s30, s11;
	s23 =	sand.u32 $0x1FFFFFF0, s16;
	s25 =	spop (v2sf)  }
0x7d: {  	[tilespmem:s19], [sflag:$0x1] =	stream.linear.gather [hbm4b:s22+s2], $0x80, $0x38;
	[tilespmem:$0x18600] =	vst v63  }
0x7e: {  	s26 =	sadd.s32 s5, s23;
	(v2sf) =	vpush v1, $0xE;
	s11 =	sand.u32 $0x1FFFFFF0, s25;
	s16 =	spop (v2sf)  }
0x7f: {  	[tilespmem:s17], [sflag:$0x1] =	stream.linear.gather [hbm4b:s26+s2], $0x80, $0x38;
	[tilespmem:$0x18600] =	vst v63  }
0x80: {  	(v2sf) =	vpush v0, $0xE;
	s20 =	sadd.s32 s5, s11;
	s21 =	sand.u32 $0x1FFFFFF0, s16;
	s22 =	spop (v2sf)  }
0x81: {  	[tilespmem:s12], [sflag:$0x1] =	stream.linear.gather [hbm4b:s20+s2], $0x80, $0x38;
	[tilespmem:$0x18600] =	vst v63  }
0x82: {  	s15 =	simm.s32 $0x1800;
	(v2sf) =	vpush v2, $0xF;
	s23 =	sadd.s32 s30, s21;
	s26 =	spop (v2sf)  }
0x83: {  	[tilespmem:s15], [sflag:$0x1] =	stream.linear.gather [hbm4b:s23+s2], $0x80, $0x38;
	[tilespmem:$0x18600] =	vst v63  }
0x84: {  	s25 =	sand.u32 $0x1FFFFFF0, s22;
	(v2sf) =	vpush v1, $0xF;
	s12 =	sand.u32 $0x1FFFFFF0, s26;
	s16 =	spop (v2sf)  }
0x85: {  	s11 =	sadd.s32 s5, s25;
	s19 =	sadd.s32 s5, s12;
	s20 =	sand.u32 $0x1FFFFFF0, s16  }
0x86: {  	(v2sf) =	vpush v0, $0xF;
	[tilespmem:s14], [sflag:$0x1] =	stream.linear.gather [hbm4b:s11+s2], $0x80, $0x38;
	[tilespmem:$0x18600] =	vst v63  }
0x87: {  	s21 =	spop (v2sf);
	s22 =	sadd.s32 s30, s20;
	s11 =	simm.s32 $0x1D00  }
0x88: {  	[tilespmem:s24], [sflag:$0x1] =	stream.linear.gather [hbm4b:s19+s2], $0x80, $0x38;
	[tilespmem:$0x18600] =	vst v63  }
0x89: {  	s14 =	simm.s32 $0x0;
	s23 =	sand.u32 $0x1FFFFFF0, s21;
	s24 =	spop (v2sf)  }
0x8a: {  	[tilespmem:s13], [sflag:$0x1] =	stream.linear.gather [hbm4b:s22+s2], $0x80, $0x38;
	[tilespmem:$0x18600] =	vst v63  }
0x8b: {  	s25 =	sadd.s32 s5, s23;
	s26 =	sand.u32 $0x1FFFFFF0, s24;
	s12 =	spop (v2sf)  }
0x8c: {  	[tilespmem:s4], [sflag:$0x1] =	stream.linear.gather [hbm4b:s25+s2], $0x80, $0x38;
	[tilespmem:$0x18600] =	vst v63  }
0x8d: {  	s15 =	sadd.s32 s5, s26;
	s16 =	sand.u32 $0x1FFFFFF0, s12;
	s17 =	spop (v2sf)  }
0x8e: {  	[tilespmem:s10], [sflag:$0x1] =	stream.linear.gather [hbm4b:s15+s2], $0x80, $0x38;
	[tilespmem:$0x18600] =	vst v63  }
0x8f: {  	s19 =	sadd.s32 s30, s16;
	s20 =	sand.u32 $0x1FFFFFF0, s17;
	s21 =	spop (v2sf)  }
0x90: {  	[tilespmem:s9], [sflag:$0x1] =	stream.linear.gather [hbm4b:s19+s2], $0x80, $0x38;
	[tilespmem:$0x18600] =	vst v63  }
0x91: {  	s22 =	sadd.s32 s5, s20;
	s23 =	sand.u32 $0x1FFFFFF0, s21;
	s24 =	spop (v2sf)  }
0x92: {  	[tilespmem:s8], [sflag:$0x1] =	stream.linear.gather [hbm4b:s22+s2], $0x80, $0x38;
	[tilespmem:$0x18600] =	vst v63  }
0x93: {  	s25 =	sadd.s32 s5, s23;
	s26 =	sand.u32 $0x1FFFFFF0, s24;
	s4 =	spop (v2sf)  }
0x94: {  	[tilespmem:s7], [sflag:$0x1] =	stream.linear.gather [hbm4b:s25+s2], $0x80, $0x38;
	[tilespmem:$0x18600] =	vst v63  }
0x95: {  	s8 =	sadd.s32 s30, s26;
	s9 =	sand.u32 $0x1FFFFFF0, s4;
	s10 =	spop (v2sf)  }
0x96: {  	[tilespmem:s6], [sflag:$0x1] =	stream.linear.gather [hbm4b:s8+s2], $0x80, $0x38;
	[tilespmem:$0x18600] =	vst v63  }
0x97: {  	s17 =	sadd.s32 $0x20, s3;
	s12 =	sadd.s32 s5, s9;
	s13 =	sand.u32 $0x1FFFFFF0, s10  }
0x98: {  	[tilespmem:s11], [sflag:$0x1] =	stream.linear.gather [hbm4b:s12+s2], $0x80, $0x38;
	[tilespmem:$0x18600] =	vst v63  }
0x99: {  	s15 =	simm.s32 $0x1D80;
	s16 =	sadd.s32 s5, s13;
	[dreg:$0x3] =	wrdreg s14  }
0x9a: {  	[tilespmem:s15], [sflag:$0x1] =	stream.linear.gather [hbm4b:s16+s2], $0x80, $0x38;
	[tilespmem:$0x18600] =	vst v63  }
0x9b: {  	s19 =	simm.s32 $0x3480;
	[dreg:$0x4] =	wrdreg s17  }
0x9c: {  	s21 =	simm.s32 $0x3500;
	[dreg:$0xb] =	wrdreg s19  }
0x9d: {  	s22 =	simm.s32 $0x3300;
	[dreg:$0x9] =	wrdreg s21  }
0x9e: {  	s23 =	simm.s32 $0x3380;
	[dreg:$0x15] =	wrdreg s22  }
0x9f: {  	s24 =	simm.s32 $0x3400;
	[dreg:$0x12] =	wrdreg s23  }
0xa0: {  	s25 =	simm.s32 $0x3180;
	[dreg:$0xf] =	wrdreg s24  }
0xa1: {  	s6 =	simm.s32 $0x3200;
	[dreg:$0x1d] =	wrdreg s25  }
0xa2: {  	s18 =	simm.s32 $0x3580;
	s7 =	simm.s32 $0x3280;
	[dreg:$0x1b] =	wrdreg s6  }
0xa3: {  	s31 =	simm.s32 $0x2580;
	s8 =	simm.s32 $0x3000;
	[dreg:$0x19] =	wrdreg s7  }
0xa4: {  	p0 =	por p1, p1;
	s9 =	simm.s32 $0x3080;
	v0 =	vld [tilespmem:s3+$0x0];
	[smem:$0x7E7] =	sst s8  }
0xa5: {  	s29 =	sadd.s32 $0x20, s0;
	s10 =	simm.s32 $0x3100;
	[smem:$0x7E8] =	sst s9  }
0xa6: {  	s28 =	simm.s32 $0x2500;
	s11 =	simm.s32 $0x2E80;
	[smem:$0x7E9] =	sst s10  }
0xa7: {  	s20 =	simm.s32 $0x6580;
	s12 =	simm.s32 $0x2F00;
	v1 =	vld [tilespmem:s1+$0x0];
	[smem:$0x7EA] =	sst s11  }
0xa8: {  	s26 =	sadd.s32 $0x20, s1;
	s13 =	simm.s32 $0x2F80;
	[smem:$0x7EB] =	sst s12  }
0xa9: {  	s4 =	simm.s32 $0x2700;
	s14 =	simm.s32 $0x2D00;
	[smem:$0x7EC] =	sst s13  }
0xaa: {  	s15 =	simm.s32 $0x2D80;
	s16 =	simm.s32 $0x2E00;
	v3 =	vld [tilespmem:s0+$0x0];
	[smem:$0x7ED] =	sst s14  }
0xab: {  	s17 =	simm.s32 $0x2B80;
	s19 =	simm.s32 $0x2C00;
	[smem:$0x7EE] =	sst s15  }
0xac: {  	s21 =	simm.s32 $0x2C80;
	s22 =	simm.s32 $0x2A00;
	[smem:$0x7EF] =	sst s16  }
0xad: {  	s23 =	simm.s32 $0x2A80;
	s24 =	simm.s32 $0x2B00;
	[smem:$0x7F0] =	sst s17  }
0xae: {  	s7 =	simm.s32 $0x2880;
	s25 =	simm.s32 $0x2980;
	[smem:$0x7F1] =	sst s19  }
0xaf: {  	s6 =	simm.s32 $0x2780;
	s10 =	simm.s32 $0x2800;
	[smem:$0x7F2] =	sst s21;
	v2 =	vshll.u32 v0, $0x4  }
0xb0: {  	s9 =	simm.s32 $0x2300;
	s8 =	simm.s32 $0x2100;
	[smem:$0x7F3] =	sst s22;
	v1 =	vshll.u32 v1, $0x4;
	(v2sf) =	vpush v2, $0x0  }
0xb1: {  	s3 =	simm.s32 $0x1E00;
	s11 =	simm.s32 $0x2680;
	[smem:$0x7F4] =	sst s23;
	v0 =	vshll.u32 v3, $0x4;
	(v2sf) =	vpush v1, $0x0  }
0xb2: {  	s12 =	simm.s32 $0x2280;
	s13 =	simm.s32 $0x2380;
	[smem:$0x7F5] =	sst s24;
	(v2sf) =	vpush v0, $0x0  }
0xb3: {  	s0 =	simm.s32 $0x2900;
	[smem:$0x7F6] =	sst s25;
	s16 =	simm.s32 $0x2600;
	(v2sf) =	vpush v2, $0x1  }
0xb4: {  	s24 =	simm.s32 $0x2400;
	s25 =	simm.s32 $0x2480;
	s15 =	simm.s32 $0x2180;
	(v2sf) =	vpush v1, $0x1  }
0xb5: {  	s19 =	simm.s32 $0x2200;
	s21 =	simm.s32 $0x1F80;
	s17 =	simm.s32 $0x2000;
	(v2sf) =	vpush v0, $0x1  }
0xb6: {  	s14 =	simm.s32 $0x2080;
	s23 =	simm.s32 $0x1E80;
	s22 =	simm.s32 $0x1F00;
	(v2sf) =	vpush v2, $0x2  }
.LBB2_3:
0xb7: {  	[dreg:$0x5] =	wrdreg s26;
	s1 =	sadd.s32 $0xFFFFE600, s20  }
0xb8: {  	[dreg:$0xd] =	wrdreg s1;
	s1 =	sadd.s32 $0xFFFFE680, s20  }
0xb9: {  	[dreg:$0xc] =	wrdreg s1;
	s1 =	sadd.s32 $0xFFFFE700, s20  }
0xba: {  	[dreg:$0xa] =	wrdreg s1;
	s1 =	smov.u32 s26  }
0xbb: {  	s26 =	smov.u32 s29;
	[dreg:$0x8] =	wrdreg s1  }
0xbc: {  	[dreg:$0x7] =	wrdreg s26;
	s26 =	sadd.s32 $0xFFFFE480, s20  }
0xbd: {  	[dreg:$0x11] =	wrdreg s26;
	s26 =	sadd.s32 $0xFFFFE500, s20  }
0xbe: {  	[dreg:$0x10] =	wrdreg s26;
	s26 =	sadd.s32 $0xFFFFE580, s20  }
0xbf: {  	[dreg:$0xe] =	wrdreg s26;
	s26 =	sadd.s32 $0xFFFFE300, s20  }
0xc0: {  	[dreg:$0x16] =	wrdreg s26;
	s26 =	sadd.s32 $0xFFFFE380, s20  }
0xc1: {  	[dreg:$0x14] =	wrdreg s26;
	s26 =	sadd.s32 $0xFFFFE400, s20  }
0xc2: {  	[dreg:$0x13] =	wrdreg s26;
	s26 =	sadd.s32 $0xFFFFE180, s20  }
0xc3: {  	[dreg:$0x1a] =	wrdreg s26;
	s26 =	sadd.s32 $0xFFFFE200, s20  }
0xc4: {  	(v2sf) =	vpush v1, $0x2;
	[dreg:$0x18] =	wrdreg s26;
	s26 =	sadd.s32 $0xFFFFE280, s20  }
0xc5: {  	[dreg:$0x17] =	wrdreg s26;
	s26 =	sadd.s32 $0xFFFFE080, s20  }
0xc6: {  	(v2sf) =	vpush v0, $0x2;
	s1 =	spop (v2sf);
	[dreg:$0x1e] =	wrdreg s26;
	s26 =	sadd.s32 $0xFFFFE100, s20  }
0xc7: {  	s1 =	sand.u32 $0x1FFFFFF0, s1;
	[dreg:$0x1c] =	wrdreg s26;
	s26 =	sadd.s32 $0xFFFFE000, s20  }
0xc8: {  	s1 =	sadd.s32 s30, s1;
	[dreg:$0x1f] =	wrdreg s26;
	s26 =	spop (v2sf);
	(v2sf) =	vpush v2, $0x3  }
0xc9: {  	[tilespmem:s3], [sflag:$0x1] =	stream.linear.gather [hbm4b:s1+s2], $0x80, $0x38;
	[tilespmem:$0x18600] =	vst v63  }
0xca: {  	[dreg:$0x6] =	wrdreg s29;
	s26 =	sand.u32 $0x1FFFFFF0, s26;
	s29 =	spop (v2sf);
	(v2sf) =	vpush v1, $0x3  }
0xcb: {  	s1 =	sadd.s32 s5, s26;
	s3 =	sand.u32 $0x1FFFFFF0, s29;
	s26 =	spop (v2sf)  }
0xcc: {  	(v2sf) =	vpush v0, $0x3;
	[tilespmem:s23], [sflag:$0x1] =	stream.linear.gather [hbm4b:s1+s2], $0x80, $0x38;
	[tilespmem:$0x18600] =	vst v63  }
0xcd: {  	s3 =	sadd.s32 s5, s3;
	s23 =	sand.u32 $0x1FFFFFF0, s26;
	s26 =	spop (v2sf)  }
0xce: {  	(v2sf) =	vpush v2, $0x4;
	[tilespmem:s22], [sflag:$0x1] =	stream.linear.gather [hbm4b:s3+s2], $0x80, $0x38;
	[tilespmem:$0x18600] =	vst v63  }
0xcf: {  	s22 =	sadd.s32 s30, s23;
	s23 =	sand.u32 $0x1FFFFFF0, s26;
	s26 =	spop (v2sf)  }
0xd0: {  	(v2sf) =	vpush v1, $0x4;
	[tilespmem:s21], [sflag:$0x1] =	stream.linear.gather [hbm4b:s22+s2], $0x80, $0x38;
	[tilespmem:$0x18600] =	vst v63  }
0xd1: {  	s21 =	sadd.s32 s5, s23;
	s23 =	sand.u32 $0x1FFFFFF0, s26;
	s26 =	spop (v2sf);
	(v2sf) =	vpush v0, $0x4  }
0xd2: {  	[tilespmem:s17], [sflag:$0x1] =	stream.linear.gather [hbm4b:s21+s2], $0x80, $0x38;
	[tilespmem:$0x18600] =	vst v63  }
0xd3: {  	s22 =	sadd.s32 s5, s23;
	s23 =	sand.u32 $0x1FFFFFF0, s26;
	s26 =	spop (v2sf);
	(v2sf) =	vpush v2, $0x5  }
0xd4: {  	[tilespmem:s14], [sflag:$0x1] =	stream.linear.gather [hbm4b:s22+s2], $0x80, $0x38;
	[tilespmem:$0x18600] =	vst v63  }
0xd5: {  	s17 =	sand.u32 $0x1FFFFFF0, s26;
	s21 =	spop (v2sf);
	(v2sf) =	vpush v1, $0x5;
	s14 =	sadd.s32 s30, s23  }
0xd6: {  	[tilespmem:s8], [sflag:$0x1] =	stream.linear.gather [hbm4b:s14+s2], $0x80, $0x38;
	[tilespmem:$0x18600] =	vst v63  }
0xd7: {  	s22 =	sadd.s32 s5, s17;
	s23 =	sand.u32 $0x1FFFFFF0, s21;
	s26 =	spop (v2sf)  }
0xd8: {  	[tilespmem:s15], [sflag:$0x1] =	stream.linear.gather [hbm4b:s22+s2], $0x80, $0x38;
	[tilespmem:$0x18600] =	vst v63  }
0xd9: {  	s3 =	sadd.s32 s5, s23;
	(v2sf) =	vpush v0, $0x5;
	s14 =	sand.u32 $0x1FFFFFF0, s26;
	s15 =	spop (v2sf)  }
0xda: {  	[tilespmem:s19], [sflag:$0x1] =	stream.linear.gather [hbm4b:s3+s2], $0x80, $0x38;
	[tilespmem:$0x18600] =	vst v63  }
0xdb: {  	(v2sf) =	vpush v2, $0x6;
	s17 =	sadd.s32 s30, s14;
	s19 =	sand.u32 $0x1FFFFFF0, s15;
	s21 =	spop (v2sf)  }
0xdc: {  	(v2sf) =	vpush v1, $0x6;
	[tilespmem:s12], [sflag:$0x1] =	stream.linear.gather [hbm4b:s17+s2], $0x80, $0x38;
	[tilespmem:$0x18600] =	vst v63  }
0xdd: {  	s29 =	sadd.s32 $0xFFFFD480, s20;
	s22 =	sadd.s32 s5, s19;
	s26 =	spop (v2sf)  }
0xde: {  	(v2sf) =	vpush v0, $0x6;
	[tilespmem:s9], [sflag:$0x1] =	stream.linear.gather [hbm4b:s22+s2], $0x80, $0x38;
	[tilespmem:$0x18600] =	vst v63  }
0xdf: {  	s23 =	sand.u32 $0x1FFFFFF0, s21;
	s8 =	sand.u32 $0x1FFFFFF0, s26;
	s9 =	spop (v2sf)  }
0xe0: {  	s3 =	sadd.s32 s5, s23;
	s12 =	sadd.s32 s30, s8;
	(v2sf) =	vpush v2, $0x7;
	s14 =	spop (v2sf)  }
0xe1: {  	[tilespmem:s13], [sflag:$0x1] =	stream.linear.gather [hbm4b:s3+s2], $0x80, $0x38;
	[tilespmem:$0x18600] =	vst v63  }
0xe2: {  	s13 =	sand.u32 $0x1FFFFFF0, s9;
	s17 =	sand.u32 $0x1FFFFFF0, s14;
	s19 =	spop (v2sf)  }
0xe3: {  	[tilespmem:s24], [sflag:$0x1] =	stream.linear.gather [hbm4b:s12+s2], $0x80, $0x38;
	[tilespmem:$0x18600] =	vst v63  }
0xe4: {  	(v2sf) =	vpush v1, $0x7;
	s15 =	sadd.s32 s5, s13;
	s22 =	sand.u32 $0x1FFFFFF0, s19;
	s23 =	spop (v2sf)  }
0xe5: {  	[tilespmem:s25], [sflag:$0x1] =	stream.linear.gather [hbm4b:s15+s2], $0x80, $0x38;
	[tilespmem:$0x18600] =	vst v63  }
0xe6: {  	(v2sf) =	vpush v0, $0x7;
	s21 =	sadd.s32 s5, s17;
	s24 =	sadd.s32 s30, s22;
	s25 =	sand.u32 $0x1FFFFFF0, s23  }
0xe7: {  	[tilespmem:s28], [sflag:$0x1] =	stream.linear.gather [hbm4b:s21+s2], $0x80, $0x38;
	[tilespmem:$0x18600] =	vst v63  }
0xe8: {  	(v2sf) =	vpush v2, $0x8;
	s3 =	sadd.s32 s5, s25;
	s28 =	sadd.s32 $0xFFFFD580, s20;
	s26 =	spop (v2sf)  }
0xe9: {  	[tilespmem:s31], [sflag:$0x1] =	stream.linear.gather [hbm4b:s24+s2], $0x80, $0x38;
	[tilespmem:$0x18600] =	vst v63  }
0xea: {  	(v2sf) =	vpush v1, $0x8;
	s9 =	sand.u32 $0x1FFFFFF0, s26;
	s12 =	spop (v2sf);
	s31 =	sadd.s32 $0xFFFFD280, s20  }
0xeb: {  	s13 =	sadd.s32 s5, s9;
	s14 =	sand.u32 $0x1FFFFFF0, s12;
	s15 =	spop (v2sf)  }
0xec: {  	[tilespmem:s16], [sflag:$0x1] =	stream.linear.gather [hbm4b:s3+s2], $0x80, $0x38;
	[tilespmem:$0x18600] =	vst v63  }
0xed: {  	(v2sf) =	vpush v0, $0x8;
	s16 =	sadd.s32 s30, s14;
	s17 =	sand.u32 $0x1FFFFFF0, s15;
	s19 =	spop (v2sf)  }
0xee: {  	(v2sf) =	vpush v2, $0x9;
	[tilespmem:s11], [sflag:$0x1] =	stream.linear.gather [hbm4b:s13+s2], $0x80, $0x38;
	[tilespmem:$0x18600] =	vst v63  }
0xef: {  	s21 =	sadd.s32 s5, s17;
	s22 =	sand.u32 $0x1FFFFFF0, s19;
	s23 =	spop (v2sf)  }
0xf0: {  	(v2sf) =	vpush v1, $0x9;
	[tilespmem:s4], [sflag:$0x1] =	stream.linear.gather [hbm4b:s16+s2], $0x80, $0x38;
	[tilespmem:$0x18600] =	vst v63  }
0xf1: {  	s24 =	sadd.s32 s5, s22;
	s22 =	sld [smem:$0x7F3];
	s25 =	sand.u32 $0x1FFFFFF0, s23  }
0xf2: {  	(v2sf) =	vpush v0, $0x9;
	[tilespmem:s6], [sflag:$0x1] =	stream.linear.gather [hbm4b:s21+s2], $0x80, $0x38;
	[tilespmem:$0x18600] =	vst v63  }
0xf3: {  	s26 =	spop (v2sf);
	s16 =	sld [smem:$0x7F6];
	s4 =	sadd.s32 s30, s25  }
0xf4: {  	[tilespmem:s10], [sflag:$0x1] =	stream.linear.gather [hbm4b:s24+s2], $0x80, $0x38;
	[tilespmem:$0x18600] =	vst v63  }
0xf5: {  	(v2sf) =	vpush v2, $0xA;
	s8 =	sand.u32 $0x1FFFFFF0, s26;
	s9 =	spop (v2sf);
	s26 =	sld [smem:$0x7F4]  }
0xf6: {  	(v2sf) =	vpush v1, $0xA;
	[tilespmem:s7], [sflag:$0x1] =	stream.linear.gather [hbm4b:s4+s2], $0x80, $0x38;
	[tilespmem:$0x18600] =	vst v63  }
0xf7: {  	s11 =	sand.u32 $0x1FFFFFF0, s9;
	s12 =	spop (v2sf);
	s10 =	sadd.s32 s5, s8  }
0xf8: {  	[tilespmem:s0], [sflag:$0x1] =	stream.linear.gather [hbm4b:s10+s2], $0x80, $0x38;
	[tilespmem:$0x18600] =	vst v63  }
0xf9: {  	s13 =	sadd.s32 s5, s11;
	s14 =	sand.u32 $0x1FFFFFF0, s12;
	s15 =	spop (v2sf)  }
0xfa: {  	(v2sf) =	vpush v0, $0xA;
	s12 =	sld [smem:$0x7F0];
	s17 =	sadd.s32 s30, s14;
	s19 =	sand.u32 $0x1FFFFFF0, s15  }
0xfb: {  	[tilespmem:s16], [sflag:$0x1] =	stream.linear.gather [hbm4b:s13+s2], $0x80, $0x38;
	[tilespmem:$0x18600] =	vst v63  }
0xfc: {  	s8 =	sld [smem:$0x7F5];
	(v2sf) =	vpush v2, $0xB;
	s21 =	spop (v2sf);
	s23 =	sadd.s32 s5, s19  }
0xfd: {  	s24 =	sand.u32 $0x1FFFFFF0, s21;
	s25 =	spop (v2sf);
	s16 =	sld [smem:$0x7F1]  }
0xfe: {  	[tilespmem:s22], [sflag:$0x1] =	stream.linear.gather [hbm4b:s17+s2], $0x80, $0x38;
	[tilespmem:$0x18600] =	vst v63  }
0xff: {  	(v2sf) =	vpush v1, $0xB;
	s4 =	sadd.s32 s5, s24;
	s6 =	sand.u32 $0x1FFFFFF0, s25;
	s7 =	spop (v2sf)  }
0x100: {  	(v2sf) =	vpush v0, $0xB;
	[tilespmem:s26], [sflag:$0x1] =	stream.linear.gather [hbm4b:s23+s2], $0x80, $0x38;
	[tilespmem:$0x18600] =	vst v63  }
0x101: {  	s9 =	sadd.s32 s30, s6;
	s10 =	sand.u32 $0x1FFFFFF0, s7;
	s11 =	spop (v2sf)  }
0x102: {  	(v2sf) =	vpush v2, $0xC;
	s22 =	sld [smem:$0x7F2];
	s13 =	sadd.s32 s5, s10;
	s14 =	sand.u32 $0x1FFFFFF0, s11  }
0x103: {  	[tilespmem:s8], [sflag:$0x1] =	stream.linear.gather [hbm4b:s4+s2], $0x80, $0x38;
	[tilespmem:$0x18600] =	vst v63  }
0x104: {  	(v2sf) =	vpush v1, $0xC;
	s26 =	sld [smem:$0x7ED];
	s15 =	spop (v2sf);
	s17 =	sadd.s32 s5, s14  }
0x105: {  	s19 =	sand.u32 $0x1FFFFFF0, s15;
	s21 =	spop (v2sf);
	s8 =	sld [smem:$0x7EE]  }
0x106: {  	(v2sf) =	vpush v0, $0xC;
	[tilespmem:s12], [sflag:$0x1] =	stream.linear.gather [hbm4b:s9+s2], $0x80, $0x38;
	[tilespmem:$0x18600] =	vst v63  }
0x107: {  	s23 =	sadd.s32 s30, s19;
	s24 =	sand.u32 $0x1FFFFFF0, s21;
	s12 =	sld [smem:$0x7EF]  }
0x108: {  	[tilespmem:s16], [sflag:$0x1] =	stream.linear.gather [hbm4b:s13+s2], $0x80, $0x38;
	[tilespmem:$0x18600] =	vst v63  }
0x109: {  	(v2sf) =	vpush v2, $0xD;
	s25 =	spop (v2sf);
	s4 =	sadd.s32 s5, s24;
	s16 =	sld [smem:$0x7EA]  }
0x10a: {  	(v2sf) =	vpush v1, $0xD;
	[tilespmem:s22], [sflag:$0x1] =	stream.linear.gather [hbm4b:s17+s2], $0x80, $0x38;
	[tilespmem:$0x18600] =	vst v63  }
0x10b: {  	s6 =	sand.u32 $0x1FFFFFF0, s25;
	s22 =	sld [smem:$0x7EB];
	s7 =	spop (v2sf)  }
0x10c: {  	[tilespmem:s26], [sflag:$0x1] =	stream.linear.gather [hbm4b:s23+s2], $0x80, $0x38;
	[tilespmem:$0x18600] =	vst v63  }
0x10d: {  	s9 =	sadd.s32 s5, s6;
	s10 =	sand.u32 $0x1FFFFFF0, s7;
	s26 =	sld [smem:$0x7EC]  }
0x10e: {  	s11 =	spop (v2sf);
	s7 =	sld [smem:$0x7E7];
	s13 =	sadd.s32 s30, s10  }
0x10f: {  	s14 =	sand.u32 $0x1FFFFFF0, s11;
	s15 =	spop (v2sf);
	s11 =	sld [smem:$0x7E8]  }
0x110: {  	[tilespmem:s8], [sflag:$0x1] =	stream.linear.gather [hbm4b:s4+s2], $0x80, $0x38;
	[tilespmem:$0x18600] =	vst v63  }
0x111: {  	s19 =	sand.u32 $0x1FFFFFF0, s15;
	s21 =	spop (v2sf);
	s15 =	sld [smem:$0x7E9]  }
0x112: {  	[tilespmem:s12], [sflag:$0x1] =	stream.linear.gather [hbm4b:s9+s2], $0x80, $0x38;
	[tilespmem:$0x18600] =	vst v63  }
0x113: {  	s17 =	sadd.s32 s5, s14;
	s4 =	rddreg [dreg:$0x19];
	s25 =	spop (v2sf)  }
0x114: {  	(v2sf) =	vpush v0, $0xD;
	[tilespmem:s16], [sflag:$0x1] =	stream.linear.gather [hbm4b:s13+s2], $0x80, $0x38;
	[tilespmem:$0x18600] =	vst v63  }
0x115: {  	s24 =	sand.u32 $0x1FFFFFF0, s21;
	s21 =	rddreg [dreg:$0x1d];
	s6 =	spop (v2sf)  }
0x116: {  	(v2sf) =	vpush v2, $0xE;
	s3 =	sand.u32 $0x1FFFFFF0, s25;
	s25 =	rddreg [dreg:$0x1b];
	s9 =	sand.u32 $0x1FFFFFF0, s6  }
0x117: {  	[tilespmem:s22], [sflag:$0x1] =	stream.linear.gather [hbm4b:s17+s2], $0x80, $0x38;
	[tilespmem:$0x18600] =	vst v63  }
0x118: {  	s10 =	spop (v2sf);
	s12 =	sadd.s32 s5, s9;
	s9 =	rddreg [dreg:$0x5]  }
0x119: {  	s13 =	sand.u32 $0x1FFFFFF0, s10;
	s14 =	spop (v2sf);
	s10 =	rddreg [dreg:$0x15]  }
0x11a: {  	s23 =	sadd.s32 s5, s19;
	s17 =	sand.u32 $0x1FFFFFF0, s14;
	s14 =	rddreg [dreg:$0x4]  }
0x11b: {  	[tilespmem:s26], [sflag:$0x1] =	stream.linear.gather [hbm4b:s23+s2], $0x80, $0x38;
	[tilespmem:$0x18600] =	vst v63  }
0x11c: {  	(v2sf) =	vpush v1, $0xE;
	s16 =	sadd.s32 s30, s13;
	s13 =	rddreg [dreg:$0x3];
	s26 =	sadd.s32 $0xFFFFDF80, s20  }
0x11d: {  	s1 =	sadd.s32 s30, s24;
	s0 =	sadd.s32 $0x2, s13;
	[smem:$0x7E5] =	sst s26  }
0x11e: {  	(v2sf) =	vpush v0, $0xE;
	[tilespmem:s7], [sflag:$0x1] =	stream.linear.gather [hbm4b:s1+s2], $0x80, $0x38;
	[tilespmem:$0x18600] =	vst v63  }
0x11f: {  	(v2sf) =	vpush v2, $0xF;
	s8 =	sadd.s32 s5, s3;
	[dreg:$0x3] =	wrdreg s0;
	s7 =	sadd.s32 $0xFFFFDE80, s20  }
0x120: {  	(v2sf) =	vpush v1, $0xF;
	[tilespmem:s11], [sflag:$0x1] =	stream.linear.gather [hbm4b:s8+s2], $0x80, $0x38;
	[tilespmem:$0x18600] =	vst v63  }
0x121: {  	s22 =	sadd.s32 s5, s17;
	s13 =	sadd.s32 $0xFFFFD080, s20;
	[smem:$0x7E3] =	sst s7  }
0x122: {  	[tilespmem:s15], [sflag:$0x1] =	stream.linear.gather [hbm4b:s12+s2], $0x80, $0x38;
	[tilespmem:$0x18600] =	vst v63  }
0x123: {  	(v2sf) =	vpush v0, $0xF;
	s19 =	spop (v2sf);
	s8 =	sadd.s32 $0xFFFFDF00, s20;
	s11 =	rddreg [dreg:$0x6]  }
0x124: {  	[tilespmem:s21], [sflag:$0x1] =	stream.linear.gather [hbm4b:s16+s2], $0x80, $0x38;
	[tilespmem:$0x18600] =	vst v63  }
0x125: {  	s23 =	sand.u32 $0x1FFFFFF0, s19;
	s24 =	spop (v2sf);
	[smem:$0x7E4] =	sst s8  }
0x126: {  	[tilespmem:s25], [sflag:$0x1] =	stream.linear.gather [hbm4b:s22+s2], $0x80, $0x38;
	[tilespmem:$0x18600] =	vst v63  }
0x127: {  	s19 =	rddreg [dreg:$0x12];
	s1 =	sadd.s32 s5, s23;
	s3 =	sand.u32 $0x1FFFFFF0, s24  }
0x128: {  	[tilespmem:s4], [sflag:$0x1] =	stream.linear.gather [hbm4b:s1+s2], $0x80, $0x38;
	[tilespmem:$0x18600] =	vst v63  }
0x129: {  	s12 =	sadd.s32 $0xFFFFDE00, s20;
	s24 =	rddreg [dreg:$0xf];
	s6 =	sadd.s32 s30, s3;
	v0 =	vld [tilespmem:s14+$0xFFFFFFF0]  }
0x12a: {  	v1 =	vld [tilespmem:s9+$0xFFFFFFF0];
	[tilespmem:s10], [sflag:$0x1] =	stream.linear.gather [hbm4b:s6+s2], $0x80, $0x38  }
0x12b: {  	p1 =	slt.u32 s0, $0xE;
	[smem:$0x7E2] =	sst s12;
	s15 =	spop (v2sf);
	v3 =	vld [tilespmem:s11+$0xFFFFFFF0]  }
0x12c: {  	s0 =	sadd.s32 $0xFFFFD300, s20;
	s3 =	rddreg [dreg:$0xb];
	s7 =	sand.u32 $0x1FFFFFF0, s15  }
0x12d: {  	s16 =	spop (v2sf);
	s15 =	sadd.s32 $0xFFFFD980, s20;
	s7 =	sadd.s32 s5, s7  }
0x12e: {  	s8 =	sand.u32 $0x1FFFFFF0, s16;
	s17 =	spop (v2sf);
	s4 =	sadd.s32 $0xFFFFDD80, s20;
	v2 =	vshll.u32 v0, $0x4  }
0x12f: {  	s21 =	sadd.s32 s5, s8;
	s22 =	sand.u32 $0x1FFFFFF0, s17;
	s23 =	spop (v2sf);
	v1 =	vshll.u32 v1, $0x4;
	(v2sf) =	vpush v2, $0x0  }
0x130: {  	[smem:$0x7E1] =	sst s4;
	s9 =	sadd.s32 $0xFFFFDD00, s20;
	s17 =	sadd.s32 $0xFFFFD880, s20;
	v0 =	vshll.u32 v3, $0x4;
	(v2sf) =	vpush v1, $0x0  }
0x131: {  	s4 =	sadd.s32 $0xFFFFD100, s20;
	s25 =	sadd.s32 s30, s22;
	s26 =	sand.u32 $0x1FFFFFF0, s23;
	(v2sf) =	vpush v0, $0x0  }
0x132: {  	s1 =	spop (v2sf);
	[smem:$0x7E0] =	sst s9;
	s9 =	sadd.s32 $0xFFFFDB00, s20  }
0x133: {  	s22 =	sadd.s32 $0xFFFFD380, s20;
	s23 =	sadd.s32 $0xFFFFD200, s20;
	s8 =	sadd.s32 s5, s26;
	(v2sf) =	vpush v2, $0x1  }
0x134: {  	s6 =	sand.u32 $0x1FFFFFF0, s1;
	s11 =	sadd.s32 $0xFFFFDC00, s20;
	s26 =	sadd.s32 $0xFFFFD600, s20  }
0x135: {  	[tilespmem:s19], [sflag:$0x1] =	stream.linear.gather [hbm4b:s7+s2], $0x80, $0x38;
	(v2sf) =	vpush v1, $0x1;
	[tilespmem:$0x18600] =	vst v63  }
0x136: {  	s1 =	sadd.s32 $0xFFFFD400, s20;
	s7 =	rddreg [dreg:$0x9];
	s10 =	sadd.s32 s5, s6  }
0x137: {  	[tilespmem:s24], [sflag:$0x1] =	stream.linear.gather [hbm4b:s21+s2], $0x80, $0x38;
	(v2sf) =	vpush v0, $0x1;
	[tilespmem:$0x18600] =	vst v63  }
0x138: {  	[smem:$0x7DE] =	sst s11;
	s6 =	sadd.s32 $0xFFFFD900, s20;
	s19 =	sadd.s32 $0xFFFFD780, s20  }
0x139: {  	[tilespmem:s3], [sflag:$0x1] =	stream.linear.gather [hbm4b:s25+s2], $0x80, $0x38;
	(v2sf) =	vpush v2, $0x2;
	[tilespmem:$0x18600] =	vst v63  }
0x13a: {  	s11 =	sadd.s32 $0xFFFFD180, s20;
	s21 =	sadd.s32 $0xFFFFD500, s20;
	s25 =	sadd.s32 $0xFFFFD680, s20  }
0x13b: {  	[tilespmem:s7], [sflag:$0x1] =	stream.linear.gather [hbm4b:s8+s2], $0x80, $0x38;
	(v2sf) =	vpush v1, $0x2;
	[tilespmem:$0x18600] =	vst v63  }
0x13c: {  	s3 =	sadd.s32 $0xFFFFD700, s20;
	s8 =	sadd.s32 $0xFFFFDC80, s20;
	s7 =	sadd.s32 $0xFFFFDA00, s20  }
0x13d: {  	[tilespmem:s18], [sflag:$0x1] =	stream.linear.gather [hbm4b:s10+s2], $0x80, $0x38;
	(v2sf) =	vpush v0, $0x2;
	[tilespmem:$0x18600] =	vst v63  }
0x13e: {  	[smem:$0x7DF] =	sst s8;
	s8 =	sadd.s32 $0xFFFFDA80, s20;
	s12 =	spop (v2sf)  }
0x13f: {  	s10 =	sadd.s32 $0xFFFFDB80, s20;
	s24 =	sand.u32 $0x1FFFFFF0, s12;
	s16 =	spop (v2sf);
	(v2sf) =	vpush v2, $0x3  }
0x140: {  	s24 =	sadd.s32 s30, s24;
	s12 =	sand.u32 $0x1FFFFFF0, s16;
	s16 =	spop (v2sf)  }
0x141: {  	(v2sf) =	vpush v1, $0x3;
	[tilespmem:s13], [sflag:$0x1] =	stream.linear.gather [hbm4b:s24+s2], $0x80, $0x38;
	[tilespmem:$0x18600] =	vst v63  }
0x142: {  	s12 =	sadd.s32 s5, s12;
	s16 =	sand.u32 $0x1FFFFFF0, s16;
	s24 =	spop (v2sf);
	(v2sf) =	vpush v0, $0x3  }
0x143: {  	[tilespmem:s4], [sflag:$0x1] =	stream.linear.gather [hbm4b:s12+s2], $0x80, $0x38;
	[tilespmem:$0x18600] =	vst v63  }
0x144: {  	s13 =	sadd.s32 s5, s16;
	s16 =	sand.u32 $0x1FFFFFF0, s24;
	s24 =	spop (v2sf)  }
0x145: {  	[tilespmem:s11], [sflag:$0x1] =	stream.linear.gather [hbm4b:s13+s2], $0x80, $0x38;
	[tilespmem:$0x18600] =	vst v63  }
0x146: {  	(v2sf) =	vpush v2, $0x4;
	s12 =	sand.u32 $0x1FFFFFF0, s24;
	s11 =	sadd.s32 s30, s16;
	s13 =	spop (v2sf)  }
0x147: {  	[tilespmem:s23], [sflag:$0x1] =	stream.linear.gather [hbm4b:s11+s2], $0x80, $0x38;
	[tilespmem:$0x18600] =	vst v63  }
0x148: {  	(v2sf) =	vpush v1, $0x4;
	s16 =	sadd.s32 s5, s12;
	s24 =	spop (v2sf);
	s23 =	sand.u32 $0x1FFFFFF0, s13  }
0x149: {  	[tilespmem:s31], [sflag:$0x1] =	stream.linear.gather [hbm4b:s16+s2], $0x80, $0x38;
	[tilespmem:$0x18600] =	vst v63  }
0x14a: {  	(v2sf) =	vpush v0, $0x4;
	s12 =	sand.u32 $0x1FFFFFF0, s24;
	s13 =	spop (v2sf);
	s11 =	sadd.s32 s5, s23  }
0x14b: {  	[tilespmem:s0], [sflag:$0x1] =	stream.linear.gather [hbm4b:s11+s2], $0x80, $0x38;
	[tilespmem:$0x18600] =	vst v63  }
0x14c: {  	(v2sf) =	vpush v2, $0x5;
	s23 =	sand.u32 $0x1FFFFFF0, s13;
	s24 =	spop (v2sf);
	s16 =	sadd.s32 s30, s12  }
0x14d: {  	[tilespmem:s22], [sflag:$0x1] =	stream.linear.gather [hbm4b:s16+s2], $0x80, $0x38;
	[tilespmem:$0x18600] =	vst v63  }
0x14e: {  	s18 =	sadd.s32 $0xFFFFD800, s20;
	(v2sf) =	vpush v1, $0x5;
	s12 =	sadd.s32 s5, s23;
	s16 =	spop (v2sf)  }
0x14f: {  	[tilespmem:s1], [sflag:$0x1] =	stream.linear.gather [hbm4b:s12+s2], $0x80, $0x38;
	[tilespmem:$0x18600] =	vst v63  }
0x150: {  	s13 =	sand.u32 $0x1FFFFFF0, s24;
	(v2sf) =	vpush v0, $0x5;
	s23 =	sand.u32 $0x1FFFFFF0, s16;
	s24 =	spop (v2sf)  }
0x151: {  	s22 =	sadd.s32 s5, s13;
	s1 =	sadd.s32 s30, s23;
	s12 =	spop (v2sf)  }
0x152: {  	(v2sf) =	vpush v2, $0x6;
	[tilespmem:s29], [sflag:$0x1] =	stream.linear.gather [hbm4b:s22+s2], $0x80, $0x38;
	[tilespmem:$0x18600] =	vst v63  }
0x153: {  	s11 =	sand.u32 $0x1FFFFFF0, s24;
	(v2sf) =	vpush v1, $0x6;
	s29 =	rddreg [dreg:$0x6];
	s16 =	sand.u32 $0x1FFFFFF0, s12  }
0x154: {  	[tilespmem:s21], [sflag:$0x1] =	stream.linear.gather [hbm4b:s1+s2], $0x80, $0x38;
	[tilespmem:$0x18600] =	vst v63  }
0x155: {  	s13 =	sadd.s32 s5, s11;
	s22 =	sadd.s32 s5, s16;
	s21 =	spop (v2sf)  }
0x156: {  	(v2sf) =	vpush v0, $0x6;
	[tilespmem:s28], [sflag:$0x1] =	stream.linear.gather [hbm4b:s13+s2], $0x80, $0x38;
	[tilespmem:$0x18600] =	vst v63  }
0x157: {  	s29 =	sadd.s32 $0x20, s29;
	s23 =	sand.u32 $0x1FFFFFF0, s21;
	s24 =	spop (v2sf)  }
0x158: {  	(v2sf) =	vpush v2, $0x7;
	[tilespmem:s26], [sflag:$0x1] =	stream.linear.gather [hbm4b:s22+s2], $0x80, $0x38;
	[tilespmem:$0x18600] =	vst v63  }
0x159: {  	s11 =	sadd.s32 s30, s23;
	s12 =	sand.u32 $0x1FFFFFF0, s24;
	s13 =	spop (v2sf);
	(v2sf) =	vpush v1, $0x7  }
0x15a: {  	[tilespmem:s25], [sflag:$0x1] =	stream.linear.gather [hbm4b:s11+s2], $0x80, $0x38;
	[tilespmem:$0x18600] =	vst v63  }
0x15b: {  	s16 =	sadd.s32 s5, s12;
	s21 =	sand.u32 $0x1FFFFFF0, s13;
	s22 =	spop (v2sf);
	(v2sf) =	vpush v0, $0x7  }
0x15c: {  	[tilespmem:s3], [sflag:$0x1] =	stream.linear.gather [hbm4b:s16+s2], $0x80, $0x38;
	[tilespmem:$0x18600] =	vst v63  }
0x15d: {  	s23 =	sadd.s32 s5, s21;
	s24 =	sand.u32 $0x1FFFFFF0, s22;
	s25 =	spop (v2sf)  }
0x15e: {  	[tilespmem:s19], [sflag:$0x1] =	stream.linear.gather [hbm4b:s23+s2], $0x80, $0x38;
	[tilespmem:$0x18600] =	vst v63  }
0x15f: {  	s26 =	rddreg [dreg:$0x5];
	(v2sf) =	vpush v2, $0x8;
	s4 =	sadd.s32 s30, s24;
	s12 =	spop (v2sf)  }
0x160: {  	[tilespmem:s18], [sflag:$0x1] =	stream.linear.gather [hbm4b:s4+s2], $0x80, $0x38;
	[tilespmem:$0x18600] =	vst v63  }
0x161: {  	s26 =	sadd.s32 $0x20, s26;
	s11 =	sand.u32 $0x1FFFFFF0, s25;
	(v2sf) =	vpush v1, $0x8;
	s18 =	spop (v2sf)  }
0x162: {  	s13 =	sadd.s32 s5, s11;
	s16 =	sand.u32 $0x1FFFFFF0, s12;
	s22 =	spop (v2sf)  }
0x163: {  	(v2sf) =	vpush v0, $0x8;
	[tilespmem:s17], [sflag:$0x1] =	stream.linear.gather [hbm4b:s13+s2], $0x80, $0x38;
	[tilespmem:$0x18600] =	vst v63  }
0x164: {  	s19 =	sadd.s32 s5, s16;
	s21 =	sand.u32 $0x1FFFFFF0, s18;
	s24 =	sand.u32 $0x1FFFFFF0, s22  }
0x165: {  	(v2sf) =	vpush v2, $0x9;
	s23 =	sadd.s32 s30, s21;
	s25 =	spop (v2sf);
	s1 =	sadd.s32 s5, s24  }
0x166: {  	[tilespmem:s6], [sflag:$0x1] =	stream.linear.gather [hbm4b:s19+s2], $0x80, $0x38;
	[tilespmem:$0x18600] =	vst v63  }
0x167: {  	s4 =	sand.u32 $0x1FFFFFF0, s25;
	s6 =	spop (v2sf);
	s25 =	sld [smem:$0x7DE]  }
0x168: {  	(v2sf) =	vpush v1, $0x9;
	s11 =	sadd.s32 s5, s4;
	s12 =	sand.u32 $0x1FFFFFF0, s6;
	s13 =	spop (v2sf)  }
0x169: {  	(v2sf) =	vpush v0, $0x9;
	[tilespmem:s15], [sflag:$0x1] =	stream.linear.gather [hbm4b:s23+s2], $0x80, $0x38;
	[tilespmem:$0x18600] =	vst v63  }
0x16a: {  	s15 =	sadd.s32 s30, s12;
	s16 =	sand.u32 $0x1FFFFFF0, s13;
	s17 =	spop (v2sf)  }
0x16b: {  	(v2sf) =	vpush v2, $0xA;
	[tilespmem:s7], [sflag:$0x1] =	stream.linear.gather [hbm4b:s1+s2], $0x80, $0x38;
	[tilespmem:$0x18600] =	vst v63  }
0x16c: {  	s18 =	sadd.s32 s5, s16;
	s16 =	sld [smem:$0x7E1];
	s19 =	sand.u32 $0x1FFFFFF0, s17  }
0x16d: {  	(v2sf) =	vpush v1, $0xA;
	[tilespmem:s8], [sflag:$0x1] =	stream.linear.gather [hbm4b:s11+s2], $0x80, $0x38;
	[tilespmem:$0x18600] =	vst v63  }
0x16e: {  	s7 =	sld [smem:$0x7DF];
	s21 =	spop (v2sf);
	s22 =	sadd.s32 s5, s19  }
0x16f: {  	[tilespmem:s9], [sflag:$0x1] =	stream.linear.gather [hbm4b:s15+s2], $0x80, $0x38;
	[tilespmem:$0x18600] =	vst v63  }
0x170: {  	s23 =	sand.u32 $0x1FFFFFF0, s21;
	s11 =	sld [smem:$0x7E0];
	s24 =	spop (v2sf)  }
0x171: {  	(v2sf) =	vpush v0, $0xA;
	[tilespmem:s10], [sflag:$0x1] =	stream.linear.gather [hbm4b:s18+s2], $0x80, $0x38;
	[tilespmem:$0x18600] =	vst v63  }
0x172: {  	s21 =	sld [smem:$0x7E2];
	s3 =	sand.u32 $0x1FFFFFF0, s24;
	s6 =	spop (v2sf)  }
0x173: {  	(v2sf) =	vpush v2, $0xB;
	[tilespmem:s25], [sflag:$0x1] =	stream.linear.gather [hbm4b:s22+s2], $0x80, $0x38;
	[tilespmem:$0x18600] =	vst v63  }
0x174: {  	s1 =	sadd.s32 s30, s23;
	s8 =	sadd.s32 s5, s3;
	s10 =	spop (v2sf)  }
0x175: {  	s9 =	sand.u32 $0x1FFFFFF0, s6;
	s25 =	sld [smem:$0x7E3];
	s13 =	sand.u32 $0x1FFFFFF0, s10  }
0x176: {  	(v2sf) =	vpush v1, $0xB;
	[tilespmem:s7], [sflag:$0x1] =	stream.linear.gather [hbm4b:s1+s2], $0x80, $0x38;
	[tilespmem:$0x18600] =	vst v63  }
0x177: {  	(v2sf) =	vpush v0, $0xB;
	s12 =	sadd.s32 s5, s9;
	s15 =	spop (v2sf);
	s17 =	sadd.s32 s30, s13  }
0x178: {  	s7 =	sld [smem:$0x7E4];
	s18 =	sand.u32 $0x1FFFFFF0, s15;
	s19 =	spop (v2sf)  }
0x179: {  	(v2sf) =	vpush v2, $0xC;
	[tilespmem:s11], [sflag:$0x1] =	stream.linear.gather [hbm4b:s8+s2], $0x80, $0x38;
	[tilespmem:$0x18600] =	vst v63  }
0x17a: {  	s22 =	sadd.s32 s5, s18;
	s23 =	sand.u32 $0x1FFFFFF0, s19;
	s24 =	spop (v2sf)  }
0x17b: {  	(v2sf) =	vpush v1, $0xC;
	[tilespmem:s16], [sflag:$0x1] =	stream.linear.gather [hbm4b:s12+s2], $0x80, $0x38;
	[tilespmem:$0x18600] =	vst v63  }
0x17c: {  	(v2sf) =	vpush v0, $0xC;
	s11 =	sld [smem:$0x7E5];
	s3 =	sand.u32 $0x1FFFFFF0, s24;
	s6 =	spop (v2sf)  }
0x17d: {  	[tilespmem:s21], [sflag:$0x1] =	stream.linear.gather [hbm4b:s17+s2], $0x80, $0x38;
	[tilespmem:$0x18600] =	vst v63  }
0x17e: {  	s1 =	sadd.s32 s5, s23;
	(v2sf) =	vpush v2, $0xD;
	s8 =	sadd.s32 s30, s3;
	s9 =	sand.u32 $0x1FFFFFF0, s6  }
0x17f: {  	[tilespmem:s25], [sflag:$0x1] =	stream.linear.gather [hbm4b:s22+s2], $0x80, $0x38;
	[tilespmem:$0x18600] =	vst v63  }
0x180: {  	s16 =	rddreg [dreg:$0x1f];
	s10 =	spop (v2sf);
	(v2sf) =	vpush v1, $0xD;
	s12 =	sadd.s32 s5, s9  }
0x181: {  	[tilespmem:s7], [sflag:$0x1] =	stream.linear.gather [hbm4b:s1+s2], $0x80, $0x38;
	[tilespmem:$0x18600] =	vst v63  }
0x182: {  	s21 =	rddreg [dreg:$0x1e];
	s13 =	sand.u32 $0x1FFFFFF0, s10;
	s15 =	spop (v2sf)  }
0x183: {  	s17 =	sadd.s32 s5, s13;
	s25 =	rddreg [dreg:$0x1c];
	s18 =	sand.u32 $0x1FFFFFF0, s15  }
0x184: {  	[tilespmem:s11], [sflag:$0x1] =	stream.linear.gather [hbm4b:s8+s2], $0x80, $0x38;
	[tilespmem:$0x18600] =	vst v63  }
0x185: {  	(v2sf) =	vpush v0, $0xD;
	s7 =	rddreg [dreg:$0x1a];
	s19 =	spop (v2sf);
	s22 =	sadd.s32 s30, s18  }
0x186: {  	s11 =	rddreg [dreg:$0x18];
	s23 =	sand.u32 $0x1FFFFFF0, s19;
	s24 =	spop (v2sf)  }
0x187: {  	[tilespmem:s16], [sflag:$0x1] =	stream.linear.gather [hbm4b:s12+s2], $0x80, $0x38;
	[tilespmem:$0x18600] =	vst v63  }
0x188: {  	(v2sf) =	vpush v2, $0xE;
	s1 =	sadd.s32 s5, s23;
	s3 =	sand.u32 $0x1FFFFFF0, s24;
	s6 =	spop (v2sf)  }
0x189: {  	[tilespmem:s21], [sflag:$0x1] =	stream.linear.gather [hbm4b:s17+s2], $0x80, $0x38;
	[tilespmem:$0x18600] =	vst v63  }
0x18a: {  	(v2sf) =	vpush v1, $0xE;
	s16 =	rddreg [dreg:$0x17];
	s8 =	sadd.s32 s5, s3;
	s10 =	spop (v2sf)  }
0x18b: {  	s9 =	sand.u32 $0x1FFFFFF0, s6;
	s21 =	rddreg [dreg:$0x16];
	s15 =	spop (v2sf)  }
0x18c: {  	[tilespmem:s25], [sflag:$0x1] =	stream.linear.gather [hbm4b:s22+s2], $0x80, $0x38;
	[tilespmem:$0x18600] =	vst v63  }
0x18d: {  	(v2sf) =	vpush v0, $0xE;
	s12 =	sadd.s32 s30, s9;
	s13 =	sand.u32 $0x1FFFFFF0, s10;
	s19 =	spop (v2sf)  }
0x18e: {  	(v2sf) =	vpush v2, $0xF;
	[tilespmem:s7], [sflag:$0x1] =	stream.linear.gather [hbm4b:s1+s2], $0x80, $0x38;
	[tilespmem:$0x18600] =	vst v63  }
0x18f: {  	s17 =	sadd.s32 s5, s13;
	s25 =	rddreg [dreg:$0x14];
	s24 =	spop (v2sf)  }
0x190: {  	(v2sf) =	vpush v1, $0xF;
	[tilespmem:s11], [sflag:$0x1] =	stream.linear.gather [hbm4b:s8+s2], $0x80, $0x38;
	[tilespmem:$0x18600] =	vst v63  }
0x191: {  	s18 =	sand.u32 $0x1FFFFFF0, s15;
	s6 =	sand.u32 $0x1FFFFFF0, s24;
	s8 =	rddreg [dreg:$0x13]  }
0x192: {  	s22 =	sadd.s32 s5, s18;
	s9 =	sadd.s32 s5, s6;
	s6 =	rddreg [dreg:$0xd]  }
0x193: {  	[tilespmem:s16], [sflag:$0x1] =	stream.linear.gather [hbm4b:s12+s2], $0x80, $0x38;
	[tilespmem:$0x18600] =	vst v63  }
0x194: {  	(v2sf) =	vpush v0, $0xF;
	s23 =	sand.u32 $0x1FFFFFF0, s19;
	s12 =	rddreg [dreg:$0x11];
	s7 =	spop (v2sf)  }
0x195: {  	[tilespmem:s21], [sflag:$0x1] =	stream.linear.gather [hbm4b:s17+s2], $0x80, $0x38;
	[tilespmem:$0x18600] =	vst v63  }
0x196: {  	s4 =	sadd.s32 s30, s23;
	s10 =	sand.u32 $0x1FFFFFF0, s7;
	s17 =	rddreg [dreg:$0x10]  }
0x197: {  	s11 =	spop (v2sf);
	s13 =	sadd.s32 s5, s10;
	s10 =	rddreg [dreg:$0xc]  }
0x198: {  	[tilespmem:s25], [sflag:$0x1] =	stream.linear.gather [hbm4b:s22+s2], $0x80, $0x38;
	[tilespmem:$0x18600] =	vst v63  }
0x199: {  	s15 =	sand.u32 $0x1FFFFFF0, s11;
	s16 =	spop (v2sf);
	s22 =	rddreg [dreg:$0xe]  }
0x19a: {  	s18 =	sadd.s32 s30, s15;
	s19 =	sand.u32 $0x1FFFFFF0, s16;
	s15 =	rddreg [dreg:$0xa]  }
0x19b: {  	[tilespmem:s8], [sflag:$0x1] =	stream.linear.gather [hbm4b:s4+s2], $0x80, $0x38;
	[tilespmem:$0x18600] =	vst v63  }
0x19c: {  	s16 =	sadd.s32 $0xFFFFE780, s20;
	s21 =	spop (v2sf);
	s23 =	sadd.s32 s5, s19  }
0x19d: {  	s24 =	sand.u32 $0x1FFFFFF0, s21;
	s25 =	spop (v2sf);
	s21 =	rddreg [dreg:$0x8]  }
0x19e: {  	[tilespmem:s12], [sflag:$0x1] =	stream.linear.gather [hbm4b:s9+s2], $0x80, $0x38;
	[tilespmem:$0x18600] =	vst v63  }
0x19f: {  	s7 =	sadd.s32 s5, s24;
	s8 =	sand.u32 $0x1FFFFFF0, s25;
	s9 =	spop (v2sf)  }
0x1a0: {  	[tilespmem:s17], [sflag:$0x1] =	stream.linear.gather [hbm4b:s13+s2], $0x80, $0x38;
	[tilespmem:$0x18600] =	vst v63  }
0x1a1: {  	s24 =	rddreg [dreg:$0x7];
	s11 =	sadd.s32 s30, s8;
	s12 =	sand.u32 $0x1FFFFFF0, s9  }
0x1a2: {  	[tilespmem:s22], [sflag:$0x1] =	stream.linear.gather [hbm4b:s18+s2], $0x80, $0x38;
	[tilespmem:$0x18600] =	vst v63  }
0x1a3: {  	s13 =	spop (v2sf);
	s1 =	sadd.s32 s5, s12;
	s18 =	smov.u32 s20  }
0x1a4: {  	s17 =	sadd.s32 $0xFFFFE800, s20;
	s3 =	sand.u32 $0x1FFFFFF0, s13;
	s22 =	sadd.s32 $0xFFFFFF00, s18  }
0x1a5: {  	[tilespmem:s6], [sflag:$0x1] =	stream.linear.gather [hbm4b:s23+s2], $0x80, $0x38;
	[tilespmem:$0x18600] =	vst v63  }
0x1a6: {  	s19 =	sadd.s32 s5, s3;
	s25 =	sadd.s32 $0xFFFFFD80, s18;
	[dreg:$0xb] =	wrdreg s22  }
0x1a7: {  	s20 =	sadd.s32 $0x3000, s20;
	s3 =	sadd.s32 $0xFFFFFE80, s18;
	[dreg:$0x15] =	wrdreg s25  }
0x1a8: {  	s4 =	sadd.s32 $0xFFFFFC00, s18;
	s8 =	sadd.s32 $0xFFFFFA80, s18;
	[dreg:$0xf] =	wrdreg s3  }
0x1a9: {  	s9 =	sadd.s32 $0xFFFFFB00, s18;
	s12 =	sadd.s32 $0xFFFFF980, s18;
	[dreg:$0x1d] =	wrdreg s4  }
0x1aa: {  	s13 =	sadd.s32 $0xFFFFFA00, s18;
	s0 =	sadd.s32 $0xFFFFF380, s18;
	[smem:$0x7E7] =	sst s8  }
0x1ab: {  	s31 =	sadd.s32 $0xFFFFF000, s18;
	s28 =	sadd.s32 $0xFFFFEF80, s18;
	[smem:$0x7E8] =	sst s9  }
0x1ac: {  	s23 =	sadd.s32 $0xFFFFFF80, s18;
	s6 =	sadd.s32 $0xFFFFFC80, s18;
	[smem:$0x7EB] =	sst s12  }
0x1ad: {  	[smem:$0x7EC] =	sst s13;
	s22 =	sadd.s32 $0xFFFFF480, s18;
	s25 =	sadd.s32 $0xFFFFF400, s18  }
0x1ae: {  	s4 =	sadd.s32 $0xFFFFF180, s18;
	s12 =	sadd.s32 $0xFFFFED00, s18;
	[dreg:$0x9] =	wrdreg s23  }
0x1af: {  	[tilespmem:s10], [sflag:$0x1] =	stream.linear.gather [hbm4b:s7+s2], $0x80, $0x38;
	[tilespmem:$0x18600] =	vst v63  }
0x1b0: {  	s9 =	sadd.s32 $0xFFFFED80, s18;
	s13 =	sadd.s32 $0xFFFFEE00, s18;
	[dreg:$0x1b] =	wrdreg s6  }
0x1b1: {  	[tilespmem:s15], [sflag:$0x1] =	stream.linear.gather [hbm4b:s11+s2], $0x80, $0x38;
	[tilespmem:$0x18600] =	vst v63  }
0x1b2: {  	s8 =	sadd.s32 $0xFFFFEB80, s18;
	s3 =	sadd.s32 $0xFFFFE880, s18;
	[smem:$0x7F3] =	sst s22  }
0x1b3: {  	[tilespmem:s16], [sflag:$0x1] =	stream.linear.gather [hbm4b:s1+s2], $0x80, $0x38;
	[tilespmem:$0x18600] =	vst v63  }
0x1b4: {  	s23 =	sadd.s32 $0xFFFFF500, s18;
	[smem:$0x7F6] =	sst s25;
	s6 =	sadd.s32 $0xFFFFF200, s18  }
0x1b5: {  	[tilespmem:s17], [sflag:$0x1] =	stream.linear.gather [hbm4b:s19+s2], $0x80, $0x38;
	[tilespmem:$0x18600] =	vst v63  }
0x1b6: {  	s25 =	sadd.s32 $0xFFFFEF00, s18;
	s7 =	sadd.s32 $0xFFFFFD00, s18;
	[smem:$0x7F4] =	sst s23;
	v0 =	vld [tilespmem:s14+$0x0]  }
0x1b7: {  	s22 =	sadd.s32 $0xFFFFE980, s18;
	s10 =	sadd.s32 $0xFFFFFB80, s18;
	[dreg:$0x19] =	wrdreg s7;
	v1 =	vld [tilespmem:s21+$0x0]  }
0x1b8: {  	s23 =	sadd.s32 $0xFFFFE900, s18;
	[smem:$0x7E9] =	sst s10;
	s11 =	sadd.s32 $0xFFFFF900, s18;
	v3 =	vld [tilespmem:s24+$0x0]  }
0x1b9: {  	s7 =	sadd.s32 $0xFFFFF300, s18;
	s15 =	sadd.s32 $0xFFFFF800, s18;
	[smem:$0x7EA] =	sst s11  }
0x1ba: {  	s10 =	sadd.s32 $0xFFFFF280, s18;
	[smem:$0x7EE] =	sst s15;
	s1 =	sadd.s32 $0xFFFFFE00, s18  }
0x1bb: {  	s11 =	sadd.s32 $0xFFFFF100, s18;
	s16 =	sadd.s32 $0xFFFFF880, s18;
	[dreg:$0x12] =	wrdreg s1;
	v2 =	vshll.u32 v0, $0x4  }
0x1bc: {  	s15 =	sadd.s32 $0xFFFFEC00, s18;
	[smem:$0x7EF] =	sst s16;
	s17 =	sadd.s32 $0xFFFFF600, s18;
	v1 =	vshll.u32 v1, $0x4;
	(v2sf) =	vpush v2, $0x0  }
0x1bd: {  	s16 =	sadd.s32 $0xFFFFF080, s18;
	s19 =	sadd.s32 $0xFFFFF680, s18;
	[smem:$0x7F0] =	sst s17;
	v0 =	vshll.u32 v3, $0x4;
	(v2sf) =	vpush v1, $0x0  }
.Ltmp0:
0x1be: {  	s14 =	sadd.s32 $0x20, s14;
	[smem:$0x7F1] =	sst s19;
	(v2sf) =	vpush v0, $0x0;
	(pc) =	sbr.rel @p1 .LBB2_3-.Ltmp0, $4  }
0x1bf: {  	s21 =	sadd.s32 $0xFFFFF700, s18;
	s24 =	sadd.s32 $0xFFFFF580, s18;
	[dreg:$0x4] =	wrdreg s14;
	(v2sf) =	vpush v2, $0x1  }
0x1c0: {  	s19 =	sadd.s32 $0xFFFFEC80, s18;
	s17 =	sadd.s32 $0xFFFFEA80, s18;
	[smem:$0x7F2] =	sst s21;
	(v2sf) =	vpush v1, $0x1  }
0x1c1: {  	s14 =	sadd.s32 $0xFFFFF780, s18;
	[smem:$0x7F5] =	sst s24;
	s24 =	sadd.s32 $0xFFFFEE80, s18;
	(v2sf) =	vpush v0, $0x1  }
0x1c2: {  	s21 =	sadd.s32 $0xFFFFEA00, s18;
	[smem:$0x7ED] =	sst s14;
	s14 =	sadd.s32 $0xFFFFEB00, s18;
	(v2sf) =	vpush v2, $0x2  }
0x1c3: {  	_ =	sdelay $0x7  }
0x1c4: {  	s1 =	spop (v2sf)  }
0x1c5: {  	s1 =	sand.u32 $0x1FFFFFF0, s1  }
0x1c6: {  	s29 =	spop (v2sf);
	s1 =	sadd.s32 s30, s1  }
0x1c7: {  	(v2sf) =	vpush v1, $0x2;
	[tilespmem:s3], [sflag:$0x1] =	stream.linear.gather [hbm4b:s1+s2], $0x80, $0x38;
	[tilespmem:$0x18600] =	vst v63  }
0x1c8: {  	s1 =	sand.u32 $0x1FFFFFF0, s29  }
0x1c9: {  	s3 =	spop (v2sf);
	s1 =	sadd.s32 s5, s1  }
0x1ca: {  	(v2sf) =	vpush v0, $0x2;
	[tilespmem:s23], [sflag:$0x1] =	stream.linear.gather [hbm4b:s1+s2], $0x80, $0x38;
	[tilespmem:$0x18600] =	vst v63  }
0x1cb: {  	s1 =	sand.u32 $0x1FFFFFF0, s3  }
0x1cc: {  	(v2sf) =	vpush v2, $0x3;
	s20 =	spop (v2sf);
	s1 =	sadd.s32 s5, s1  }
0x1cd: {  	[tilespmem:s22], [sflag:$0x1] =	stream.linear.gather [hbm4b:s1+s2], $0x80, $0x38;
	[tilespmem:$0x18600] =	vst v63  }
0x1ce: {  	s1 =	sand.u32 $0x1FFFFFF0, s20  }
0x1cf: {  	s1 =	sadd.s32 s30, s1  }
0x1d0: {  	(v2sf) =	vpush v1, $0x3;
	[tilespmem:s21], [sflag:$0x1] =	stream.linear.gather [hbm4b:s1+s2], $0x80, $0x38;
	[tilespmem:$0x18600] =	vst v63  }
0x1d1: {  	s21 =	spop (v2sf)  }
0x1d2: {  	s1 =	sand.u32 $0x1FFFFFF0, s21  }
0x1d3: {  	s22 =	spop (v2sf);
	s1 =	sadd.s32 s5, s1  }
0x1d4: {  	[tilespmem:s17], [sflag:$0x1] =	stream.linear.gather [hbm4b:s1+s2], $0x80, $0x38;
	[tilespmem:$0x18600] =	vst v63  }
0x1d5: {  	s23 =	spop (v2sf);
	s1 =	sand.u32 $0x1FFFFFF0, s22  }
0x1d6: {  	s1 =	sadd.s32 s5, s1;
	s26 =	spop (v2sf);
	(v2sf) =	vpush v0, $0x3  }
0x1d7: {  	[tilespmem:s14], [sflag:$0x1] =	stream.linear.gather [hbm4b:s1+s2], $0x80, $0x38;
	[tilespmem:$0x18600] =	vst v63  }
0x1d8: {  	s1 =	sand.u32 $0x1FFFFFF0, s23  }
0x1d9: {  	s1 =	sadd.s32 s30, s1;
	s29 =	spop (v2sf);
	(v2sf) =	vpush v2, $0x4  }
0x1da: {  	[tilespmem:s8], [sflag:$0x1] =	stream.linear.gather [hbm4b:s1+s2], $0x80, $0x38;
	[tilespmem:$0x18600] =	vst v63  }
0x1db: {  	s3 =	spop (v2sf);
	(v2sf) =	vpush v1, $0x4  }
0x1dc: {  	s1 =	sand.u32 $0x1FFFFFF0, s26  }
0x1dd: {  	s1 =	sadd.s32 s5, s1  }
0x1de: {  	[tilespmem:s15], [sflag:$0x1] =	stream.linear.gather [hbm4b:s1+s2], $0x80, $0x38;
	[tilespmem:$0x18600] =	vst v63  }
0x1df: {  	s1 =	sand.u32 $0x1FFFFFF0, s29;
	s8 =	spop (v2sf);
	(v2sf) =	vpush v0, $0x4  }
0x1e0: {  	s1 =	sadd.s32 s5, s1  }
0x1e1: {  	[tilespmem:s19], [sflag:$0x1] =	stream.linear.gather [hbm4b:s1+s2], $0x80, $0x38;
	[tilespmem:$0x18600] =	vst v63  }
0x1e2: {  	s1 =	sand.u32 $0x1FFFFFF0, s3  }
0x1e3: {  	s1 =	sadd.s32 s30, s1  }
0x1e4: {  	[tilespmem:s12], [sflag:$0x1] =	stream.linear.gather [hbm4b:s1+s2], $0x80, $0x38;
	[tilespmem:$0x18600] =	vst v63  }
0x1e5: {  	s12 =	spop (v2sf);
	(v2sf) =	vpush v2, $0x5;
	_ =	sdelay $0x2  }
0x1e6: {  	s14 =	spop (v2sf);
	(v2sf) =	vpush v1, $0x5;
	_ =	sdelay $0x1  }
0x1e7: {  	s1 =	sand.u32 $0x1FFFFFF0, s8;
	s15 =	spop (v2sf);
	(v2sf) =	vpush v0, $0x5  }
0x1e8: {  	s1 =	sadd.s32 s5, s1  }
0x1e9: {  	[tilespmem:s9], [sflag:$0x1] =	stream.linear.gather [hbm4b:s1+s2], $0x80, $0x38;
	[tilespmem:$0x18600] =	vst v63  }
0x1ea: {  	s1 =	sand.u32 $0x1FFFFFF0, s12  }
0x1eb: {  	s1 =	sadd.s32 s5, s1;
	s17 =	spop (v2sf);
	(v2sf) =	vpush v2, $0x6  }
0x1ec: {  	[tilespmem:s13], [sflag:$0x1] =	stream.linear.gather [hbm4b:s1+s2], $0x80, $0x38;
	[tilespmem:$0x18600] =	vst v63  }
0x1ed: {  	s1 =	sand.u32 $0x1FFFFFF0, s14  }
0x1ee: {  	s1 =	sadd.s32 s30, s1  }
0x1ef: {  	[tilespmem:s24], [sflag:$0x1] =	stream.linear.gather [hbm4b:s1+s2], $0x80, $0x38;
	[tilespmem:$0x18600] =	vst v63  }
0x1f0: {  	s1 =	sand.u32 $0x1FFFFFF0, s15  }
0x1f1: {  	s1 =	sadd.s32 s5, s1;
	s19 =	spop (v2sf);
	(v2sf) =	vpush v1, $0x6  }
0x1f2: {  	[tilespmem:s25], [sflag:$0x1] =	stream.linear.gather [hbm4b:s1+s2], $0x80, $0x38;
	[tilespmem:$0x18600] =	vst v63  }
0x1f3: {  	s1 =	sand.u32 $0x1FFFFFF0, s17  }
0x1f4: {  	s1 =	sadd.s32 s5, s1;
	s20 =	spop (v2sf);
	(v2sf) =	vpush v0, $0x6  }
0x1f5: {  	[tilespmem:s28], [sflag:$0x1] =	stream.linear.gather [hbm4b:s1+s2], $0x80, $0x38;
	[tilespmem:$0x18600] =	vst v63  }
0x1f6: {  	s1 =	sand.u32 $0x1FFFFFF0, s19;
	s21 =	spop (v2sf);
	(v2sf) =	vpush v2, $0x7  }
0x1f7: {  	s1 =	sadd.s32 s30, s1  }
0x1f8: {  	[tilespmem:s31], [sflag:$0x1] =	stream.linear.gather [hbm4b:s1+s2], $0x80, $0x38;
	[tilespmem:$0x18600] =	vst v63  }
0x1f9: {  	s1 =	sand.u32 $0x1FFFFFF0, s20  }
0x1fa: {  	s1 =	sadd.s32 s5, s1;
	s22 =	spop (v2sf)  }
0x1fb: {  	(v2sf) =	vpush v1, $0x7;
	[tilespmem:s16], [sflag:$0x1] =	stream.linear.gather [hbm4b:s1+s2], $0x80, $0x38;
	[tilespmem:$0x18600] =	vst v63  }
0x1fc: {  	s1 =	sand.u32 $0x1FFFFFF0, s21  }
0x1fd: {  	s1 =	sadd.s32 s5, s1  }
0x1fe: {  	[tilespmem:s11], [sflag:$0x1] =	stream.linear.gather [hbm4b:s1+s2], $0x80, $0x38;
	[tilespmem:$0x18600] =	vst v63  }
0x1ff: {  	s1 =	sand.u32 $0x1FFFFFF0, s22  }
0x200: {  	s1 =	sadd.s32 s30, s1;
	s23 =	spop (v2sf);
	(v2sf) =	vpush v0, $0x7  }
0x201: {  	[tilespmem:s4], [sflag:$0x1] =	stream.linear.gather [hbm4b:s1+s2], $0x80, $0x38;
	[tilespmem:$0x18600] =	vst v63  }
0x202: {  	s1 =	sand.u32 $0x1FFFFFF0, s23  }
0x203: {  	s24 =	spop (v2sf);
	s1 =	sadd.s32 s5, s1  }
0x204: {  	(v2sf) =	vpush v2, $0x8;
	[tilespmem:s6], [sflag:$0x1] =	stream.linear.gather [hbm4b:s1+s2], $0x80, $0x38;
	[tilespmem:$0x18600] =	vst v63  }
0x205: {  	s25 =	spop (v2sf);
	(v2sf) =	vpush v1, $0x8  }
0x206: {  	s1 =	sand.u32 $0x1FFFFFF0, s24  }
0x207: {  	s1 =	sadd.s32 s5, s1  }
0x208: {  	[tilespmem:s10], [sflag:$0x1] =	stream.linear.gather [hbm4b:s1+s2], $0x80, $0x38;
	[tilespmem:$0x18600] =	vst v63  }
0x209: {  	s1 =	sand.u32 $0x1FFFFFF0, s25  }
0x20a: {  	s26 =	spop (v2sf);
	s1 =	sadd.s32 s30, s1  }
0x20b: {  	[tilespmem:s7], [sflag:$0x1] =	stream.linear.gather [hbm4b:s1+s2], $0x80, $0x38;
	[tilespmem:$0x18600] =	vst v63  }
0x20c: {  	(v2sf) =	vpush v0, $0x8;
	s1 =	sand.u32 $0x1FFFFFF0, s26  }
0x20d: {  	s1 =	sadd.s32 s5, s1  }
0x20e: {  	[tilespmem:s0], [sflag:$0x1] =	stream.linear.gather [hbm4b:s1+s2], $0x80, $0x38;
	[tilespmem:$0x18600] =	vst v63  }
0x20f: {  	s1 =	sld [smem:$0x7F6];
	s28 =	spop (v2sf)  }
0x210: {  	s0 =	sand.u32 $0x1FFFFFF0, s28  }
0x211: {  	(v2sf) =	vpush v2, $0x9;
	s0 =	sadd.s32 s5, s0  }
0x212: {  	[tilespmem:s1], [sflag:$0x1] =	stream.linear.gather [hbm4b:s0+s2], $0x80, $0x38;
	[tilespmem:$0x18600] =	vst v63  }
0x213: {  	s29 =	spop (v2sf);
	(v2sf) =	vpush v1, $0x9;
	s1 =	sld [smem:$0x7F3]  }
0x214: {  	s0 =	sand.u32 $0x1FFFFFF0, s29;
	s31 =	spop (v2sf);
	(v2sf) =	vpush v0, $0x9  }
0x215: {  	s0 =	sadd.s32 s30, s0  }
0x216: {  	[tilespmem:s1], [sflag:$0x1] =	stream.linear.gather [hbm4b:s0+s2], $0x80, $0x38;
	[tilespmem:$0x18600] =	vst v63  }
0x217: {  	s1 =	sld [smem:$0x7F4]  }
0x218: {  	s0 =	sand.u32 $0x1FFFFFF0, s31  }
0x219: {  	s0 =	sadd.s32 s5, s0  }
0x21a: {  	[tilespmem:s1], [sflag:$0x1] =	stream.linear.gather [hbm4b:s0+s2], $0x80, $0x38;
	[tilespmem:$0x18600] =	vst v63  }
0x21b: {  	s1 =	spop (v2sf)  }
0x21c: {  	(v2sf) =	vpush v2, $0xA;
	s0 =	sand.u32 $0x1FFFFFF0, s1;
	s1 =	sld [smem:$0x7F5];
	_ =	sdelay $0x1  }
0x21d: {  	s0 =	sadd.s32 s5, s0  }
0x21e: {  	[tilespmem:s1], [sflag:$0x1] =	stream.linear.gather [hbm4b:s0+s2], $0x80, $0x38;
	[tilespmem:$0x18600] =	vst v63  }
0x21f: {  	s3 =	spop (v2sf);
	(v2sf) =	vpush v1, $0xA  }
0x220: {  	s1 =	sld [smem:$0x7F0]  }
0x221: {  	s0 =	sand.u32 $0x1FFFFFF0, s3;
	s4 =	spop (v2sf)  }
0x222: {  	(v2sf) =	vpush v0, $0xA;
	s0 =	sadd.s32 s30, s0;
	s6 =	spop (v2sf)  }
0x223: {  	(v2sf) =	vpush v2, $0xB;
	[tilespmem:s1], [sflag:$0x1] =	stream.linear.gather [hbm4b:s0+s2], $0x80, $0x38;
	[tilespmem:$0x18600] =	vst v63  }
0x224: {  	s1 =	sld [smem:$0x7F1]  }
0x225: {  	s0 =	sand.u32 $0x1FFFFFF0, s4  }
0x226: {  	s0 =	sadd.s32 s5, s0  }
0x227: {  	[tilespmem:s1], [sflag:$0x1] =	stream.linear.gather [hbm4b:s0+s2], $0x80, $0x38;
	[tilespmem:$0x18600] =	vst v63  }
0x228: {  	s1 =	sld [smem:$0x7F2]  }
0x229: {  	s0 =	sand.u32 $0x1FFFFFF0, s6  }
0x22a: {  	s0 =	sadd.s32 s5, s0;
	s7 =	spop (v2sf);
	(v2sf) =	vpush v1, $0xB  }
0x22b: {  	[tilespmem:s1], [sflag:$0x1] =	stream.linear.gather [hbm4b:s0+s2], $0x80, $0x38;
	[tilespmem:$0x18600] =	vst v63  }
0x22c: {  	s1 =	sld [smem:$0x7ED]  }
0x22d: {  	s0 =	sand.u32 $0x1FFFFFF0, s7  }
0x22e: {  	s0 =	sadd.s32 s30, s0;
	s8 =	spop (v2sf);
	(v2sf) =	vpush v0, $0xB  }
0x22f: {  	[tilespmem:s1], [sflag:$0x1] =	stream.linear.gather [hbm4b:s0+s2], $0x80, $0x38;
	[tilespmem:$0x18600] =	vst v63  }
0x230: {  	s1 =	sld [smem:$0x7EE]  }
0x231: {  	s0 =	sand.u32 $0x1FFFFFF0, s8;
	s9 =	spop (v2sf);
	(v2sf) =	vpush v2, $0xC  }
0x232: {  	s0 =	sadd.s32 s5, s0;
	s10 =	spop (v2sf)  }
0x233: {  	(v2sf) =	vpush v1, $0xC;
	[tilespmem:s1], [sflag:$0x1] =	stream.linear.gather [hbm4b:s0+s2], $0x80, $0x38;
	[tilespmem:$0x18600] =	vst v63  }
0x234: {  	s1 =	sld [smem:$0x7EF]  }
0x235: {  	s0 =	sand.u32 $0x1FFFFFF0, s9  }
0x236: {  	s0 =	sadd.s32 s5, s0  }
0x237: {  	[tilespmem:s1], [sflag:$0x1] =	stream.linear.gather [hbm4b:s0+s2], $0x80, $0x38;
	[tilespmem:$0x18600] =	vst v63  }
0x238: {  	s1 =	sld [smem:$0x7EA]  }
0x239: {  	s0 =	sand.u32 $0x1FFFFFF0, s10;
	s11 =	spop (v2sf);
	(v2sf) =	vpush v0, $0xC  }
0x23a: {  	s0 =	sadd.s32 s30, s0  }
0x23b: {  	[tilespmem:s1], [sflag:$0x1] =	stream.linear.gather [hbm4b:s0+s2], $0x80, $0x38;
	[tilespmem:$0x18600] =	vst v63  }
0x23c: {  	s1 =	sld [smem:$0x7EB]  }
0x23d: {  	s0 =	sand.u32 $0x1FFFFFF0, s11;
	s12 =	spop (v2sf);
	(v2sf) =	vpush v2, $0xD  }
0x23e: {  	s0 =	sadd.s32 s5, s0  }
0x23f: {  	[tilespmem:s1], [sflag:$0x1] =	stream.linear.gather [hbm4b:s0+s2], $0x80, $0x38;
	[tilespmem:$0x18600] =	vst v63  }
0x240: {  	s13 =	spop (v2sf);
	(v2sf) =	vpush v1, $0xD;
	s1 =	sld [smem:$0x7EC]  }
0x241: {  	s0 =	sand.u32 $0x1FFFFFF0, s12  }
0x242: {  	s0 =	sadd.s32 s5, s0;
	s14 =	spop (v2sf)  }
0x243: {  	(v2sf) =	vpush v0, $0xD;
	[tilespmem:s1], [sflag:$0x1] =	stream.linear.gather [hbm4b:s0+s2], $0x80, $0x38;
	[tilespmem:$0x18600] =	vst v63  }
0x244: {  	s1 =	sld [smem:$0x7E7]  }
0x245: {  	s0 =	sand.u32 $0x1FFFFFF0, s13  }
0x246: {  	s0 =	sadd.s32 s30, s0  }
0x247: {  	[tilespmem:s1], [sflag:$0x1] =	stream.linear.gather [hbm4b:s0+s2], $0x80, $0x38;
	[tilespmem:$0x18600] =	vst v63  }
0x248: {  	s1 =	sld [smem:$0x7E8];
	s15 =	spop (v2sf);
	(v2sf) =	vpush v2, $0xE  }
0x249: {  	s0 =	sand.u32 $0x1FFFFFF0, s14  }
0x24a: {  	s0 =	sadd.s32 s5, s0  }
0x24b: {  	[tilespmem:s1], [sflag:$0x1] =	stream.linear.gather [hbm4b:s0+s2], $0x80, $0x38;
	[tilespmem:$0x18600] =	vst v63  }
0x24c: {  	s16 =	spop (v2sf);
	(v2sf) =	vpush v1, $0xE  }
0x24d: {  	s1 =	sld [smem:$0x7E9]  }
0x24e: {  	s0 =	sand.u32 $0x1FFFFFF0, s15  }
0x24f: {  	s0 =	sadd.s32 s5, s0;
	s17 =	spop (v2sf);
	(v2sf) =	vpush v0, $0xE  }
0x250: {  	[tilespmem:s1], [sflag:$0x1] =	stream.linear.gather [hbm4b:s0+s2], $0x80, $0x38;
	[tilespmem:$0x18600] =	vst v63  }
0x251: {  	s0 =	sand.u32 $0x1FFFFFF0, s16  }
0x252: {  	s19 =	spop (v2sf);
	(v2sf) =	vpush v2, $0xF;
	s0 =	sadd.s32 s30, s0;
	s1 =	rddreg [dreg:$0x1d]  }
0x253: {  	[tilespmem:s1], [sflag:$0x1] =	stream.linear.gather [hbm4b:s0+s2], $0x80, $0x38;
	[tilespmem:$0x18600] =	vst v63  }
0x254: {  	s0 =	sand.u32 $0x1FFFFFF0, s17  }
0x255: {  	s0 =	sadd.s32 s5, s0;
	s1 =	rddreg [dreg:$0x1b]  }
0x256: {  	[tilespmem:s1], [sflag:$0x1] =	stream.linear.gather [hbm4b:s0+s2], $0x80, $0x38;
	[tilespmem:$0x18600] =	vst v63  }
0x257: {  	s0 =	sand.u32 $0x1FFFFFF0, s19;
	s20 =	spop (v2sf);
	(v2sf) =	vpush v1, $0xF  }
0x258: {  	s0 =	sadd.s32 s5, s0;
	s1 =	rddreg [dreg:$0x19]  }
0x259: {  	[tilespmem:s1], [sflag:$0x1] =	stream.linear.gather [hbm4b:s0+s2], $0x80, $0x38;
	[tilespmem:$0x18600] =	vst v63  }
0x25a: {  	s0 =	sand.u32 $0x1FFFFFF0, s20  }
0x25b: {  	s1 =	rddreg [dreg:$0x15];
	s0 =	sadd.s32 s30, s0;
	s21 =	spop (v2sf);
	(v2sf) =	vpush v0, $0xF  }
0x25c: {  	[tilespmem:s1], [sflag:$0x1] =	stream.linear.gather [hbm4b:s0+s2], $0x80, $0x38;
	[tilespmem:$0x18600] =	vst v63  }
0x25d: {  	s0 =	sand.u32 $0x1FFFFFF0, s21  }
0x25e: {  	s1 =	rddreg [dreg:$0x12];
	s22 =	spop (v2sf);
	s0 =	sadd.s32 s5, s0  }
0x25f: {  	[tilespmem:s1], [sflag:$0x1] =	stream.linear.gather [hbm4b:s0+s2], $0x80, $0x38;
	[tilespmem:$0x18600] =	vst v63  }
0x260: {  	s0 =	sand.u32 $0x1FFFFFF0, s22  }
0x261: {  	s23 =	spop (v2sf);
	s0 =	sadd.s32 s5, s0;
	s1 =	rddreg [dreg:$0xf]  }
0x262: {  	[tilespmem:s1], [sflag:$0x1] =	stream.linear.gather [hbm4b:s0+s2], $0x80, $0x38;
	[tilespmem:$0x18600] =	vst v63  }
0x263: {  	s0 =	sand.u32 $0x1FFFFFF0, s23  }
0x264: {  	s0 =	sadd.s32 s30, s0;
	s1 =	rddreg [dreg:$0xb]  }
0x265: {  	[tilespmem:s1], [sflag:$0x1] =	stream.linear.gather [hbm4b:s0+s2], $0x80, $0x38;
	[tilespmem:$0x18600] =	vst v63  }
0x266: {  	s24 =	spop (v2sf)  }
0x267: {  	s0 =	sand.u32 $0x1FFFFFF0, s24  }
0x268: {  	s1 =	rddreg [dreg:$0x9];
	s0 =	sadd.s32 s5, s0  }
0x269: {  	[tilespmem:s1], [sflag:$0x1] =	stream.linear.gather [hbm4b:s0+s2], $0x80, $0x38;
	[tilespmem:$0x18600] =	vst v63  }
0x26a: {  	s25 =	spop (v2sf)  }
0x26b: {  	s0 =	sand.u32 $0x1FFFFFF0, s25  }
0x26c: {  	s0 =	sadd.s32 s5, s0  }
0x26d: {  	[tilespmem:s18], [sflag:$0x1] =	stream.linear.gather [hbm4b:s0+s2], $0x80, $0x38;
	[tilespmem:$0x18600] =	vst v63  }
0x26e: {  	s0 =	sld [smem:$0x7F8]  }
0x26f: {  	s1 =	sld [smem:$0x7E6]  }
0x270: {  	s26 =	simm.s32 $0x1  }
0x271: {  	_ =	swait.ge [sflag:s26], $0x18000  }
0x272: {  	s28 =	sld [smem:$0x7F9];
	s0 =	sor.u32 s0, s1  }
0x273: {  	s0 =	smul.u32 $0x30, s0  }
0x274: {  	s29 =	simm.s32 $0x600;
	s31 =	simm.s32 $0x2;
	[sflag:s26] =	ssyncset.done $0x0  }
.Ltmp1:
0x275: {  	[sflag:s26] =	ssyncadd.s32 $0xFFFE8000;
	s0 =	sadd.s32 s28, s0;
	(pc) =	sbr.rel @p0 .LBB2_2-.Ltmp1, $4  }
0x276: {  	[hbm4b:s0+s2] =	stream.linear.scatter [tilespmem:s29], [sflag:$0x2], $0x18000, $0x38;
	[tilespmem:$0x18600] =	vst v63  }
0x277: {  	_ =	swait.ge [sflag:s31], $0x18000  }
0x278: {  	[sflag:s31] =	ssyncset.done $0x0  }
0x279: {  	p1 =	por $0x0, $0x0;
	s0 =	simm.s32 $0x100;
	[sflag:s31] =	ssyncadd.s32 $0xFFFE8000  }
0x27a: {  	s1 =	sld [smem:$0x7F7]  }
0x27b: {  	s0 =	sld [smem:$0x7FD];
	_ =	sdelay $0x1  }
0x27c: {  	s1 =	sadd.s32 $0x1, s1  }
0x27d: {  	p0 =	sne.s32 s1, s0  }
.Ltmp2:
0x27e: {  	_ = 	snop;
	(pc) =	sbr.rel @p0 .LBB2_1-.Ltmp2, $1  }
0x27f: {  	_ =	sdelay $0x3  }
0x280: {  	_ =	sfence.sel $0x180000  }
0x281: {  	[bflag:$0x0] =	sbarrier.arrive $0xFFFF  }
0x282: {  	_ =	strace $0x90000047  }
0x283: {  	s0 =	stileid.u32;
	[bflag:$0x2] =	sbarrier.arrive $0xFFFF  }
0x284: {  	p0 =	sne.s32 s0, $0x0;
	s0 =	rddreg [dreg:$0x2]  }
0x285: {  	s0 =	sadd.s32 @!p0 $0x100000, s0  }
0x286: {  	[sflag:s0] =	ssyncadd.tile.s32 @!p0 $0x1;
	_ =	shalt  }
.Lfunc_end2:
_tile_overlayer_lowered:
.L_overlay_start_2:
0x287: {  	(tag) =	ssettag $0x2  }
0x288: {  	s0 =	rddreg [dreg:$0x0];
	s2 =	stileid.u32  }
0x289: {  	s1 =	rddreg [dreg:$0x1];
	p0 =	sne.s32 s2, $0x0  }
0x28a: {  	s3 =	rddreg [dreg:$0x2];
	[bflag:$0x3] =	sbarrier.arrive $0xFFFF;
	s2 =	simm.s32 @!p0 $0x1C02  }
0x28b: {  	[timem:s3], [sflag:s2] =	dma.local @!p0 [hbm:s0], s1  }
0x28c: {  	s0 =	simm.s32 @!p0 $0x2  }
0x28d: {  	_ =	swait.ge @!p0 [sflag:s0], s1  }
0x28e: {  	s1 =	ssub.s32 @!p0 $0x0, s1;
	[sflag:s0] =	ssyncset.done @!p0 $0x0  }
0x28f: {  	[sflag:s0] =	ssyncadd.s32 @!p0 s1  }
0x290: {  	[bflag:$0x3] =	sbarrier.arrive $0xFFFF  }
0x291: {  	_ =	shalt  }

</sc_bundles>
